<compile_context>
chip_gen: v7x
topology: tpu7x:2x2x1
jax: 0.10.2.dev20260603
libtpu: 0.0.44.dev20260713+nightly
codegen_flags: <defaults>
</compile_context>

<pallas_src>
import functools

import jax
import jax.numpy as jnp
from jax import lax
from jax.experimental import pallas as pl
from jax.experimental.pallas import tpu as pltpu
from jax.experimental.pallas import tpu_sc as plsc


def _make_gather(V, D, BATCH, SEQ):
    info = plsc.get_sparse_core_info()
    NC, NS = info.num_cores, info.num_subcores
    NW = NC * NS
    B = BATCH * SEQ
    assert B % NW == 0
    b_per_w = B // NW
    assert SEQ % b_per_w == 0
    C = 8
    NBUF = 8
    DEPTH = 4
    n_chunks = b_per_w // C
    n_rounds = n_chunks // NBUF
    assert b_per_w % (C * NBUF) == 0

    mesh = plsc.VectorSubcoreMesh(core_axis_name="c", subcore_axis_name="s")

    @functools.partial(
        pl.kernel,
        mesh=mesh,
        out_type=jax.ShapeDtypeStruct((BATCH, SEQ, D), jnp.float32),
        scratch_types=[
            pltpu.VMEM((b_per_w,), jnp.int32),
        ]
        + [pltpu.VMEM((C, D), jnp.float32) for _ in range(NBUF)]
        + [pltpu.SemaphoreType.DMA for _ in range(2 * NBUF)],
    )
    def gather_kernel(idx_hbm, table_hbm, out_hbm, idx_v, *rest):
        bufs = rest[:NBUF]
        gsems = rest[NBUF : 2 * NBUF]
        ssems = rest[2 * NBUF :]
        wid = lax.axis_index("s") * NC + lax.axis_index("c")
        base = wid * b_per_w
        bat = base // SEQ
        s_off = base % SEQ
        pltpu.sync_copy(idx_hbm.at[bat, pl.ds(s_off, b_per_w)], idx_v)

        def start_gather(g, b):
            pltpu.async_copy(
                table_hbm.at[idx_v.at[pl.ds(g * C, C)]], bufs[b], gsems[b]
            )

        def wait_gather(b):
            pltpu.make_async_copy(
                table_hbm.at[idx_v.at[pl.ds(0, C)]], bufs[b], gsems[b]
            ).wait()

        def start_scatter(g, b):
            pltpu.async_copy(
                bufs[b], out_hbm.at[bat, pl.ds(s_off + g * C, C)], ssems[b]
            )

        def wait_scatter(b):
            pltpu.make_async_copy(
                bufs[b], out_hbm.at[bat, pl.ds(s_off, C)], ssems[b]
            ).wait()

        for d in range(DEPTH):
            start_gather(d, d)

        def body(s, carry):
            for b in range(NBUF):
                g = s * NBUF + b
                wait_gather(b)
                start_scatter(g, b)
                nxt = (b + DEPTH) % NBUF

                @pl.when(g + DEPTH >= NBUF)
                def _():
                    wait_scatter(nxt)

                @pl.when(g + DEPTH < n_chunks)
                def _():
                    start_gather(g + DEPTH, nxt)

            return carry

        lax.fori_loop(0, n_rounds, body, 0)
        for d in range(DEPTH):
            wait_scatter((n_chunks - DEPTH + d) % NBUF)

    return gather_kernel


def kernel(position_ids, pos_embed):
    b, s = position_ids.shape
    v, d = pos_embed.shape
    return _make_gather(v, d, b, s)(position_ids, pos_embed)

# --- scband reference (transcript-rebuilt; emitter-appended) ---
"""Pipeline reference for scband-position-embedding-1211180777545 (READ-ONLY COPY).

The authoritative reference and input builder live on the scoring server;
editing this copy changes nothing except your own understanding.
"""

import jax, jax.numpy as jnp
import numpy as np

MAX_SIZE = 64
HIDDEN = 1024

def _get_1d_sincos_pos_embed_from_grid(embed_dim, pos):
    assert embed_dim % 2 == 0
    omega = np.arange(embed_dim // 2, dtype=np.float64)
    omega /= embed_dim / 2.0
    omega = 1.0 / 10000 ** omega
    pos = pos.reshape(-1)
    out = np.einsum('m,d->md', pos, omega)
    emb_sin = np.sin(out)
    emb_cos = np.cos(out)
    return np.concatenate([emb_sin, emb_cos], axis=1)

def _get_2d_sincos_pos_embed_from_grid(embed_dim, grid):
    assert embed_dim % 2 == 0
    emb_h = _get_1d_sincos_pos_embed_from_grid(embed_dim // 2, grid[0])
    emb_w = _get_1d_sincos_pos_embed_from_grid(embed_dim // 2, grid[1])
    return np.concatenate([emb_h, emb_w], axis=1)

def _get_2d_sincos_pos_embed(embed_dim, grid_size):
    grid_h = np.arange(grid_size, dtype=np.float32)
    grid_w = np.arange(grid_size, dtype=np.float32)
    grid = np.meshgrid(grid_w, grid_h)
    grid = np.stack(grid, axis=0).reshape([2, 1, grid_size, grid_size])
    return _get_2d_sincos_pos_embed_from_grid(embed_dim, grid)

def setup_inputs(seed: int = 0):
    key = jax.random.key(seed)
    position_ids = jax.random.randint(key, (4, 4096), 0, MAX_SIZE * MAX_SIZE, dtype=jnp.int32)
    pos_embed = jnp.asarray(_get_2d_sincos_pos_embed(HIDDEN, MAX_SIZE), dtype=jnp.float32)
    return {"position_ids": position_ids, "pos_embed": pos_embed}

def reference(position_ids, pos_embed):
    # forward: self.pos_embed[position_ids]
    return jnp.take(pos_embed, position_ids, axis=0)

if __name__ == "__main__":
    import jax
    _d = setup_inputs()
    print(jax.jit(kernel)(*tuple(_d.values())))

</pallas_src>

<mosaic_0001>
#map = affine_map<(d0, d1) -> (0, 0)>
#map1 = affine_map<(d0, d1) -> (0, 0, 0)>
module attributes {stable_mosaic.version = 14 : i64} {
  func.func @gather_kernel(%arg0: i32, %arg1: i32, %arg2: memref<4x4096xi32, #tpu.memory_space<hbm>>, %arg3: memref<4096x1024xf32, #tpu.memory_space<hbm>>, %arg4: memref<4x4096x1024xf32, #tpu.memory_space<hbm>>, %arg5: memref<512xi32, #tpu.memory_space<vmem>>, %arg6: memref<8x1024xf32, #tpu.memory_space<vmem>>, %arg7: memref<8x1024xf32, #tpu.memory_space<vmem>>, %arg8: memref<8x1024xf32, #tpu.memory_space<vmem>>, %arg9: memref<8x1024xf32, #tpu.memory_space<vmem>>, %arg10: memref<8x1024xf32, #tpu.memory_space<vmem>>, %arg11: memref<8x1024xf32, #tpu.memory_space<vmem>>, %arg12: memref<8x1024xf32, #tpu.memory_space<vmem>>, %arg13: memref<8x1024xf32, #tpu.memory_space<vmem>>, %arg14: memref<!tpu.dma_semaphore, #tpu.memory_space<semaphore_mem>>, %arg15: memref<!tpu.dma_semaphore, #tpu.memory_space<semaphore_mem>>, %arg16: memref<!tpu.dma_semaphore, #tpu.memory_space<semaphore_mem>>, %arg17: memref<!tpu.dma_semaphore, #tpu.memory_space<semaphore_mem>>, %arg18: memref<!tpu.dma_semaphore, #tpu.memory_space<semaphore_mem>>, %arg19: memref<!tpu.dma_semaphore, #tpu.memory_space<semaphore_mem>>, %arg20: memref<!tpu.dma_semaphore, #tpu.memory_space<semaphore_mem>>, %arg21: memref<!tpu.dma_semaphore, #tpu.memory_space<semaphore_mem>>, %arg22: memref<!tpu.dma_semaphore, #tpu.memory_space<semaphore_mem>>, %arg23: memref<!tpu.dma_semaphore, #tpu.memory_space<semaphore_mem>>, %arg24: memref<!tpu.dma_semaphore, #tpu.memory_space<semaphore_mem>>, %arg25: memref<!tpu.dma_semaphore, #tpu.memory_space<semaphore_mem>>, %arg26: memref<!tpu.dma_semaphore, #tpu.memory_space<semaphore_mem>>, %arg27: memref<!tpu.dma_semaphore, #tpu.memory_space<semaphore_mem>>, %arg28: memref<!tpu.dma_semaphore, #tpu.memory_space<semaphore_mem>>, %arg29: memref<!tpu.dma_semaphore, #tpu.memory_space<semaphore_mem>>) attributes {dimension_semantics = [#tpu.dimension_semantics<core_parallel>, #tpu.dimension_semantics<subcore_parallel>], iteration_bounds = array<i64: 2, 16>, scalar_prefetch = 0 : i64, scratch_operands = 25 : i64, tpu.core_type = #tpu.core_type<sc_vector_subcore>, window_params = [{transform_indices = #map}, {transform_indices = #map}, {transform_indices = #map1}]} {
    %mul3A = arith.constant 2 : i32
    %mul3A_0 = arith.muli %arg1, %mul3A : i32
    %add3A = arith.addi %mul3A_0, %arg0 : i32
    %mul3A_1 = arith.constant 512 : i32
    %mul3A_2 = arith.muli %add3A, %mul3A_1 : i32
    %jit3A = arith.constant 4096 : i32
    %div3A = arith.divsi %mul3A_2, %jit3A : i32
    %sign3A = arith.constant 0 : i32
    %sign3A_3 = arith.cmpi sgt, %mul3A_2, %sign3A : i32
    %sign3A_4 = arith.extui %sign3A_3 : i1 to i32
    %sign3A_5 = arith.constant 0 : i32
    %sign3A_6 = arith.cmpi slt, %mul3A_2, %sign3A_5 : i32
    %sign3A_7 = arith.extui %sign3A_6 : i1 to i32
    %sign3A_8 = arith.subi %sign3A_4, %sign3A_7 : i32
    %sign3A_9 = arith.constant 0 : i32
    %sign3A_10 = arith.cmpi sgt, %jit3A, %sign3A_9 : i32
    %sign3A_11 = arith.extui %sign3A_10 : i1 to i32
    %sign3A_12 = arith.constant 0 : i32
    %sign3A_13 = arith.cmpi slt, %jit3A, %sign3A_12 : i32
    %sign3A_14 = arith.extui %sign3A_13 : i1 to i32
    %sign3A_15 = arith.subi %sign3A_11, %sign3A_14 : i32
    %ne3A = arith.cmpi ne, %sign3A_8, %sign3A_15 : i32
    %rem3A = arith.remsi %mul3A_2, %jit3A : i32
    %ne3A_16 = arith.constant 0 : i32
    %ne3A_17 = arith.cmpi ne, %rem3A, %ne3A_16 : i32
    %and3A = arith.andi %ne3A, %ne3A_17 : i1
    %sub3A = arith.constant 1 : i32
    %sub3A_18 = arith.subi %div3A, %sub3A : i32
    %select_n3A = arith.select %and3A, %sub3A_18, %div3A : i32
    %jit3A_19 = arith.constant 4096 : i32
    %eq3A = arith.constant 0 : i32
    %eq3A_20 = arith.cmpi eq, %jit3A_19, %eq3A : i32
    %jit3A_21 = arith.constant 1 : i32
    %select_n3A_22 = arith.select %eq3A_20, %jit3A_21, %jit3A_19 : i32
    %rem3A_23 = arith.remsi %mul3A_2, %select_n3A_22 : i32
    %ne3A_24 = arith.constant 0 : i32
    %ne3A_25 = arith.cmpi ne, %rem3A_23, %ne3A_24 : i32
    %lt3A = arith.constant 0 : i32
    %lt3A_26 = arith.cmpi slt, %rem3A_23, %lt3A : i32
    %lt3A_27 = arith.constant 0 : i32
    %lt3A_28 = arith.cmpi slt, %select_n3A_22, %lt3A_27 : i32
    %ne3A_29 = arith.xori %lt3A_26, %lt3A_28 : i1
    %and3A_30 = arith.andi %ne3A_29, %ne3A_25 : i1
    %add3A_31 = arith.addi %rem3A_23, %select_n3A_22 : i32
    %select_n3A_32 = arith.select %and3A_30, %add3A_31, %rem3A_23 : i32
    "tpu.region"() ({
      %run_scoped3A = tpu.sem_alloc : memref<!tpu.dma_semaphore, #tpu.memory_space<semaphore_mem>>
      %dma_start3A_80 = tpu.memref_slice %arg2[%select_n3A, %select_n3A_32] : memref<4x4096xi32, #tpu.memory_space<hbm>> -> memref<1x512xi32, #tpu.memory_space<hbm>>
      %dma_start3A_81 = tpu.memref_squeeze %dma_start3A_80 : memref<1x512xi32, #tpu.memory_space<hbm>> -> memref<512xi32, #tpu.memory_space<hbm>>
      %dma_start3A_82 = tpu.memref_slice %arg2[%select_n3A, %select_n3A_32] : memref<4x4096xi32, #tpu.memory_space<hbm>> -> memref<1x512xi32, #tpu.memory_space<hbm>>
      %dma_start3A_83 = tpu.memref_squeeze %dma_start3A_82 : memref<1x512xi32, #tpu.memory_space<hbm>> -> memref<512xi32, #tpu.memory_space<hbm>>
      tpu.enqueue_dma source(%dma_start3A_83 : memref<512xi32, #tpu.memory_space<hbm>>) target(%arg5 : memref<512xi32, #tpu.memory_space<vmem>>) target_semaphore(%run_scoped3A : memref<!tpu.dma_semaphore, #tpu.memory_space<semaphore_mem>>)
      %dma_wait3A_84 = tpu.memref_slice %arg2[%select_n3A, %select_n3A_32] : memref<4x4096xi32, #tpu.memory_space<hbm>> -> memref<1x512xi32, #tpu.memory_space<hbm>>
      %dma_wait3A_85 = tpu.memref_squeeze %dma_wait3A_84 : memref<1x512xi32, #tpu.memory_space<hbm>> -> memref<512xi32, #tpu.memory_space<hbm>>
      %dma_wait3A_86 = tpu.memref_slice %arg2[%select_n3A, %select_n3A_32] : memref<4x4096xi32, #tpu.memory_space<hbm>> -> memref<1x512xi32, #tpu.memory_space<hbm>>
      %dma_wait3A_87 = tpu.memref_squeeze %dma_wait3A_86 : memref<1x512xi32, #tpu.memory_space<hbm>> -> memref<512xi32, #tpu.memory_space<hbm>>
      tpu.wait_dma2 semaphore(%run_scoped3A : memref<!tpu.dma_semaphore, #tpu.memory_space<semaphore_mem>>) src(%dma_wait3A_87 : memref<512xi32, #tpu.memory_space<hbm>>) dst(%arg5 : memref<512xi32, #tpu.memory_space<vmem>>)
      tpu.yield
    }) : () -> ()
    %dma_start3A = arith.constant 0 : i32
    %dma_start3A_33 = tpu.memref_slice %arg5[%dma_start3A] : memref<512xi32, #tpu.memory_space<vmem>> -> memref<8xi32, #tpu.memory_space<vmem>>
    %dma_start3A_34 = arith.constant 0 : i32
    %dma_start3A_35 = arith.constant 0 : i32
    %dma_start3A_36 = tpu.memref_slice %arg3[%dma_start3A_34, %dma_start3A_35] : memref<4096x1024xf32, #tpu.memory_space<hbm>> -> memref<4096x1024xf32, #tpu.memory_space<hbm>>
    tpu.enqueue_indirect_dma source(%dma_start3A_36 : memref<4096x1024xf32, #tpu.memory_space<hbm>>) target(%arg6 : memref<8x1024xf32, #tpu.memory_space<vmem>>) offsets(%dma_start3A_33 : memref<8xi32, #tpu.memory_space<vmem>>) semaphore(%arg14 : memref<!tpu.dma_semaphore, #tpu.memory_space<semaphore_mem>>)
    %dma_start3A_37 = arith.constant 8 : i32
    %dma_start3A_38 = tpu.memref_slice %arg5[%dma_start3A_37] : memref<512xi32, #tpu.memory_space<vmem>> -> memref<8xi32, #tpu.memory_space<vmem>>
    %dma_start3A_39 = arith.constant 0 : i32
    %dma_start3A_40 = arith.constant 0 : i32
    %dma_start3A_41 = tpu.memref_slice %arg3[%dma_start3A_39, %dma_start3A_40] : memref<4096x1024xf32, #tpu.memory_space<hbm>> -> memref<4096x1024xf32, #tpu.memory_space<hbm>>
    tpu.enqueue_indirect_dma source(%dma_start3A_41 : memref<4096x1024xf32, #tpu.memory_space<hbm>>) target(%arg7 : memref<8x1024xf32, #tpu.memory_space<vmem>>) offsets(%dma_start3A_38 : memref<8xi32, #tpu.memory_space<vmem>>) semaphore(%arg15 : memref<!tpu.dma_semaphore, #tpu.memory_space<semaphore_mem>>)
    %dma_start3A_42 = arith.constant 16 : i32
    %dma_start3A_43 = tpu.memref_slice %arg5[%dma_start3A_42] : memref<512xi32, #tpu.memory_space<vmem>> -> memref<8xi32, #tpu.memory_space<vmem>>
    %dma_start3A_44 = arith.constant 0 : i32
    %dma_start3A_45 = arith.constant 0 : i32
    %dma_start3A_46 = tpu.memref_slice %arg3[%dma_start3A_44, %dma_start3A_45] : memref<4096x1024xf32, #tpu.memory_space<hbm>> -> memref<4096x1024xf32, #tpu.memory_space<hbm>>
    tpu.enqueue_indirect_dma source(%dma_start3A_46 : memref<4096x1024xf32, #tpu.memory_space<hbm>>) target(%arg8 : memref<8x1024xf32, #tpu.memory_space<vmem>>) offsets(%dma_start3A_43 : memref<8xi32, #tpu.memory_space<vmem>>) semaphore(%arg16 : memref<!tpu.dma_semaphore, #tpu.memory_space<semaphore_mem>>)
    %dma_start3A_47 = arith.constant 24 : i32
    %dma_start3A_48 = tpu.memref_slice %arg5[%dma_start3A_47] : memref<512xi32, #tpu.memory_space<vmem>> -> memref<8xi32, #tpu.memory_space<vmem>>
    %dma_start3A_49 = arith.constant 0 : i32
    %dma_start3A_50 = arith.constant 0 : i32
    %dma_start3A_51 = tpu.memref_slice %arg3[%dma_start3A_49, %dma_start3A_50] : memref<4096x1024xf32, #tpu.memory_space<hbm>> -> memref<4096x1024xf32, #tpu.memory_space<hbm>>
    tpu.enqueue_indirect_dma source(%dma_start3A_51 : memref<4096x1024xf32, #tpu.memory_space<hbm>>) target(%arg9 : memref<8x1024xf32, #tpu.memory_space<vmem>>) offsets(%dma_start3A_48 : memref<8xi32, #tpu.memory_space<vmem>>) semaphore(%arg17 : memref<!tpu.dma_semaphore, #tpu.memory_space<semaphore_mem>>)
    %scan3A = arith.constant 0 : i32
    %scan3A_52 = arith.constant 0 : i32
    %scan3A_53 = arith.constant 8 : i32
    %scan3A_54 = arith.addi %scan3A_52, %scan3A_53 : i32
    %scan3A_55 = arith.constant 1 : i32
    scf.for %scan3A_80 = %scan3A_52 to %scan3A_54 step %scan3A_55  : i32 {
      %mul3A_81 = arith.constant 8 : i32
      %mul3A_82 = arith.muli %scan3A_80, %mul3A_81 : i32
      %add3A_83 = arith.constant 0 : i32
      %add3A_84 = arith.addi %mul3A_82, %add3A_83 : i32
      %dma_wait3A_85 = arith.constant 0 : i32
      %dma_wait3A_86 = tpu.memref_slice %arg5[%dma_wait3A_85] : memref<512xi32, #tpu.memory_space<vmem>> -> memref<8xi32, #tpu.memory_space<vmem>>
      %dma_wait3A_87 = arith.constant 0 : i32
      %dma_wait3A_88 = arith.constant 0 : i32
      %dma_wait3A_89 = tpu.memref_slice %arg3[%dma_wait3A_87, %dma_wait3A_88] : memref<4096x1024xf32, #tpu.memory_space<hbm>> -> memref<4096x1024xf32, #tpu.memory_space<hbm>>
      tpu.wait_indirect_dma semaphore(%arg14 : memref<!tpu.dma_semaphore, #tpu.memory_space<semaphore_mem>>) src(%dma_wait3A_89 : memref<4096x1024xf32, #tpu.memory_space<hbm>>) dst(%arg6 : memref<8x1024xf32, #tpu.memory_space<vmem>>)
      %mul3A_90 = arith.constant 8 : i32
      %mul3A_91 = arith.muli %add3A_84, %mul3A_90 : i32
      %add3A_92 = arith.addi %select_n3A_32, %mul3A_91 : i32
      %dma_start3A_93 = arith.constant 0 : i32
      %dma_start3A_94 = tpu.memref_slice %arg4[%select_n3A, %add3A_92, %dma_start3A_93] : memref<4x4096x1024xf32, #tpu.memory_space<hbm>> -> memref<1x8x1024xf32, #tpu.memory_space<hbm>>
      %dma_start3A_95 = tpu.memref_squeeze %dma_start3A_94 : memref<1x8x1024xf32, #tpu.memory_space<hbm>> -> memref<8x1024xf32, #tpu.memory_space<hbm>>
      %dma_start3A_96 = arith.constant 0 : i32
      %dma_start3A_97 = tpu.memref_slice %arg4[%select_n3A, %add3A_92, %dma_start3A_96] : memref<4x4096x1024xf32, #tpu.memory_space<hbm>> -> memref<1x8x1024xf32, #tpu.memory_space<hbm>>
      %dma_start3A_98 = tpu.memref_squeeze %dma_start3A_97 : memref<1x8x1024xf32, #tpu.memory_space<hbm>> -> memref<8x1024xf32, #tpu.memory_space<hbm>>
      tpu.enqueue_dma source(%arg6 : memref<8x1024xf32, #tpu.memory_space<vmem>>) target(%dma_start3A_98 : memref<8x1024xf32, #tpu.memory_space<hbm>>) target_semaphore(%arg22 : memref<!tpu.dma_semaphore, #tpu.memory_space<semaphore_mem>>)
      %add3A_99 = arith.constant 4 : i32
      %add3A_100 = arith.addi %add3A_84, %add3A_99 : i32
      %ge3A = arith.constant 8 : i32
      %ge3A_101 = arith.cmpi sge, %add3A_100, %ge3A : i32
      %convert_element_type3A = arith.extui %ge3A_101 : i1 to i32
      %cond3A = arith.constant 0 : i32
      %cond3A_102 = arith.cmpi ne, %convert_element_type3A, %cond3A : i32
      scf.if %cond3A_102 {
        %dma_wait3A_334 = arith.constant 0 : i32
        %dma_wait3A_335 = tpu.memref_slice %arg4[%select_n3A, %select_n3A_32, %dma_wait3A_334] : memref<4x4096x1024xf32, #tpu.memory_space<hbm>> -> memref<1x8x1024xf32, #tpu.memory_space<hbm>>
        %dma_wait3A_336 = tpu.memref_squeeze %dma_wait3A_335 : memref<1x8x1024xf32, #tpu.memory_space<hbm>> -> memref<8x1024xf32, #tpu.memory_space<hbm>>
        %dma_wait3A_337 = arith.constant 0 : i32
        %dma_wait3A_338 = tpu.memref_slice %arg4[%select_n3A, %select_n3A_32, %dma_wait3A_337] : memref<4x4096x1024xf32, #tpu.memory_space<hbm>> -> memref<1x8x1024xf32, #tpu.memory_space<hbm>>
        %dma_wait3A_339 = tpu.memref_squeeze %dma_wait3A_338 : memref<1x8x1024xf32, #tpu.memory_space<hbm>> -> memref<8x1024xf32, #tpu.memory_space<hbm>>
        tpu.wait_dma2 semaphore(%arg26 : memref<!tpu.dma_semaphore, #tpu.memory_space<semaphore_mem>>) src(%arg10 : memref<8x1024xf32, #tpu.memory_space<vmem>>) dst(%dma_wait3A_339 : memref<8x1024xf32, #tpu.memory_space<hbm>>)
      } else {
      }
      %add3A_103 = arith.constant 4 : i32
      %add3A_104 = arith.addi %add3A_84, %add3A_103 : i32
      %lt3A_105 = arith.constant 64 : i32
      %lt3A_106 = arith.cmpi slt, %add3A_104, %lt3A_105 : i32
      %convert_element_type3A_107 = arith.extui %lt3A_106 : i1 to i32
      %cond3A_108 = arith.constant 0 : i32
      %cond3A_109 = arith.cmpi ne, %convert_element_type3A_107, %cond3A_108 : i32
      scf.if %cond3A_109 {
        %add3A_334 = arith.constant 4 : i32
        %add3A_335 = arith.addi %add3A_84, %add3A_334 : i32
        %mul3A_336 = arith.constant 8 : i32
        %mul3A_337 = arith.muli %add3A_335, %mul3A_336 : i32
        %dma_start3A_338 = tpu.memref_slice %arg5[%mul3A_337] : memref<512xi32, #tpu.memory_space<vmem>> -> memref<8xi32, #tpu.memory_space<vmem>>
        %dma_start3A_339 = arith.constant 0 : i32
        %dma_start3A_340 = arith.constant 0 : i32
        %dma_start3A_341 = tpu.memref_slice %arg3[%dma_start3A_339, %dma_start3A_340] : memref<4096x1024xf32, #tpu.memory_space<hbm>> -> memref<4096x1024xf32, #tpu.memory_space<hbm>>
        tpu.enqueue_indirect_dma source(%dma_start3A_341 : memref<4096x1024xf32, #tpu.memory_space<hbm>>) target(%arg10 : memref<8x1024xf32, #tpu.memory_space<vmem>>) offsets(%dma_start3A_338 : memref<8xi32, #tpu.memory_space<vmem>>) semaphore(%arg18 : memref<!tpu.dma_semaphore, #tpu.memory_space<semaphore_mem>>)
      } else {
      }
      %mul3A_110 = arith.constant 8 : i32
      %mul3A_111 = arith.muli %scan3A_80, %mul3A_110 : i32
      %add3A_112 = arith.constant 1 : i32
      %add3A_113 = arith.addi %mul3A_111, %add3A_112 : i32
      %dma_wait3A_114 = arith.constant 0 : i32
      %dma_wait3A_115 = tpu.memref_slice %arg5[%dma_wait3A_114] : memref<512xi32, #tpu.memory_space<vmem>> -> memref<8xi32, #tpu.memory_space<vmem>>
      %dma_wait3A_116 = arith.constant 0 : i32
      %dma_wait3A_117 = arith.constant 0 : i32
      %dma_wait3A_118 = tpu.memref_slice %arg3[%dma_wait3A_116, %dma_wait3A_117] : memref<4096x1024xf32, #tpu.memory_space<hbm>> -> memref<4096x1024xf32, #tpu.memory_space<hbm>>
      tpu.wait_indirect_dma semaphore(%arg15 : memref<!tpu.dma_semaphore, #tpu.memory_space<semaphore_mem>>) src(%dma_wait3A_118 : memref<4096x1024xf32, #tpu.memory_space<hbm>>) dst(%arg7 : memref<8x1024xf32, #tpu.memory_space<vmem>>)
      %mul3A_119 = arith.constant 8 : i32
      %mul3A_120 = arith.muli %add3A_113, %mul3A_119 : i32
      %add3A_121 = arith.addi %select_n3A_32, %mul3A_120 : i32
      %dma_start3A_122 = arith.constant 0 : i32
      %dma_start3A_123 = tpu.memref_slice %arg4[%select_n3A, %add3A_121, %dma_start3A_122] : memref<4x4096x1024xf32, #tpu.memory_space<hbm>> -> memref<1x8x1024xf32, #tpu.memory_space<hbm>>
      %dma_start3A_124 = tpu.memref_squeeze %dma_start3A_123 : memref<1x8x1024xf32, #tpu.memory_space<hbm>> -> memref<8x1024xf32, #tpu.memory_space<hbm>>
      %dma_start3A_125 = arith.constant 0 : i32
      %dma_start3A_126 = tpu.memref_slice %arg4[%select_n3A, %add3A_121, %dma_start3A_125] : memref<4x4096x1024xf32, #tpu.memory_space<hbm>> -> memref<1x8x1024xf32, #tpu.memory_space<hbm>>
      %dma_start3A_127 = tpu.memref_squeeze %dma_start3A_126 : memref<1x8x1024xf32, #tpu.memory_space<hbm>> -> memref<8x1024xf32, #tpu.memory_space<hbm>>
      tpu.enqueue_dma source(%arg7 : memref<8x1024xf32, #tpu.memory_space<vmem>>) target(%dma_start3A_127 : memref<8x1024xf32, #tpu.memory_space<hbm>>) target_semaphore(%arg23 : memref<!tpu.dma_semaphore, #tpu.memory_space<semaphore_mem>>)
      %add3A_128 = arith.constant 4 : i32
      %add3A_129 = arith.addi %add3A_113, %add3A_128 : i32
      %ge3A_130 = arith.constant 8 : i32
      %ge3A_131 = arith.cmpi sge, %add3A_129, %ge3A_130 : i32
      %convert_element_type3A_132 = arith.extui %ge3A_131 : i1 to i32
      %cond3A_133 = arith.constant 0 : i32
      %cond3A_134 = arith.cmpi ne, %convert_element_type3A_132, %cond3A_133 : i32
      scf.if %cond3A_134 {
        %dma_wait3A_334 = arith.constant 0 : i32
        %dma_wait3A_335 = tpu.memref_slice %arg4[%select_n3A, %select_n3A_32, %dma_wait3A_334] : memref<4x4096x1024xf32, #tpu.memory_space<hbm>> -> memref<1x8x1024xf32, #tpu.memory_space<hbm>>
        %dma_wait3A_336 = tpu.memref_squeeze %dma_wait3A_335 : memref<1x8x1024xf32, #tpu.memory_space<hbm>> -> memref<8x1024xf32, #tpu.memory_space<hbm>>
        %dma_wait3A_337 = arith.constant 0 : i32
        %dma_wait3A_338 = tpu.memref_slice %arg4[%select_n3A, %select_n3A_32, %dma_wait3A_337] : memref<4x4096x1024xf32, #tpu.memory_space<hbm>> -> memref<1x8x1024xf32, #tpu.memory_space<hbm>>
        %dma_wait3A_339 = tpu.memref_squeeze %dma_wait3A_338 : memref<1x8x1024xf32, #tpu.memory_space<hbm>> -> memref<8x1024xf32, #tpu.memory_space<hbm>>
        tpu.wait_dma2 semaphore(%arg27 : memref<!tpu.dma_semaphore, #tpu.memory_space<semaphore_mem>>) src(%arg11 : memref<8x1024xf32, #tpu.memory_space<vmem>>) dst(%dma_wait3A_339 : memref<8x1024xf32, #tpu.memory_space<hbm>>)
      } else {
      }
      %add3A_135 = arith.constant 4 : i32
      %add3A_136 = arith.addi %add3A_113, %add3A_135 : i32
      %lt3A_137 = arith.constant 64 : i32
      %lt3A_138 = arith.cmpi slt, %add3A_136, %lt3A_137 : i32
      %convert_element_type3A_139 = arith.extui %lt3A_138 : i1 to i32
      %cond3A_140 = arith.constant 0 : i32
      %cond3A_141 = arith.cmpi ne, %convert_element_type3A_139, %cond3A_140 : i32
      scf.if %cond3A_141 {
        %add3A_334 = arith.constant 4 : i32
        %add3A_335 = arith.addi %add3A_113, %add3A_334 : i32
        %mul3A_336 = arith.constant 8 : i32
        %mul3A_337 = arith.muli %add3A_335, %mul3A_336 : i32
        %dma_start3A_338 = tpu.memref_slice %arg5[%mul3A_337] : memref<512xi32, #tpu.memory_space<vmem>> -> memref<8xi32, #tpu.memory_space<vmem>>
        %dma_start3A_339 = arith.constant 0 : i32
        %dma_start3A_340 = arith.constant 0 : i32
        %dma_start3A_341 = tpu.memref_slice %arg3[%dma_start3A_339, %dma_start3A_340] : memref<4096x1024xf32, #tpu.memory_space<hbm>> -> memref<4096x1024xf32, #tpu.memory_space<hbm>>
        tpu.enqueue_indirect_dma source(%dma_start3A_341 : memref<4096x1024xf32, #tpu.memory_space<hbm>>) target(%arg11 : memref<8x1024xf32, #tpu.memory_space<vmem>>) offsets(%dma_start3A_338 : memref<8xi32, #tpu.memory_space<vmem>>) semaphore(%arg19 : memref<!tpu.dma_semaphore, #tpu.memory_space<semaphore_mem>>)
      } else {
      }
      %mul3A_142 = arith.constant 8 : i32
      %mul3A_143 = arith.muli %scan3A_80, %mul3A_142 : i32
      %add3A_144 = arith.constant 2 : i32
      %add3A_145 = arith.addi %mul3A_143, %add3A_144 : i32
      %dma_wait3A_146 = arith.constant 0 : i32
      %dma_wait3A_147 = tpu.memref_slice %arg5[%dma_wait3A_146] : memref<512xi32, #tpu.memory_space<vmem>> -> memref<8xi32, #tpu.memory_space<vmem>>
      %dma_wait3A_148 = arith.constant 0 : i32
      %dma_wait3A_149 = arith.constant 0 : i32
      %dma_wait3A_150 = tpu.memref_slice %arg3[%dma_wait3A_148, %dma_wait3A_149] : memref<4096x1024xf32, #tpu.memory_space<hbm>> -> memref<4096x1024xf32, #tpu.memory_space<hbm>>
      tpu.wait_indirect_dma semaphore(%arg16 : memref<!tpu.dma_semaphore, #tpu.memory_space<semaphore_mem>>) src(%dma_wait3A_150 : memref<4096x1024xf32, #tpu.memory_space<hbm>>) dst(%arg8 : memref<8x1024xf32, #tpu.memory_space<vmem>>)
      %mul3A_151 = arith.constant 8 : i32
      %mul3A_152 = arith.muli %add3A_145, %mul3A_151 : i32
      %add3A_153 = arith.addi %select_n3A_32, %mul3A_152 : i32
      %dma_start3A_154 = arith.constant 0 : i32
      %dma_start3A_155 = tpu.memref_slice %arg4[%select_n3A, %add3A_153, %dma_start3A_154] : memref<4x4096x1024xf32, #tpu.memory_space<hbm>> -> memref<1x8x1024xf32, #tpu.memory_space<hbm>>
      %dma_start3A_156 = tpu.memref_squeeze %dma_start3A_155 : memref<1x8x1024xf32, #tpu.memory_space<hbm>> -> memref<8x1024xf32, #tpu.memory_space<hbm>>
      %dma_start3A_157 = arith.constant 0 : i32
      %dma_start3A_158 = tpu.memref_slice %arg4[%select_n3A, %add3A_153, %dma_start3A_157] : memref<4x4096x1024xf32, #tpu.memory_space<hbm>> -> memref<1x8x1024xf32, #tpu.memory_space<hbm>>
      %dma_start3A_159 = tpu.memref_squeeze %dma_start3A_158 : memref<1x8x1024xf32, #tpu.memory_space<hbm>> -> memref<8x1024xf32, #tpu.memory_space<hbm>>
      tpu.enqueue_dma source(%arg8 : memref<8x1024xf32, #tpu.memory_space<vmem>>) target(%dma_start3A_159 : memref<8x1024xf32, #tpu.memory_space<hbm>>) target_semaphore(%arg24 : memref<!tpu.dma_semaphore, #tpu.memory_space<semaphore_mem>>)
      %add3A_160 = arith.constant 4 : i32
      %add3A_161 = arith.addi %add3A_145, %add3A_160 : i32
      %ge3A_162 = arith.constant 8 : i32
      %ge3A_163 = arith.cmpi sge, %add3A_161, %ge3A_162 : i32
      %convert_element_type3A_164 = arith.extui %ge3A_163 : i1 to i32
      %cond3A_165 = arith.constant 0 : i32
      %cond3A_166 = arith.cmpi ne, %convert_element_type3A_164, %cond3A_165 : i32
      scf.if %cond3A_166 {
        %dma_wait3A_334 = arith.constant 0 : i32
        %dma_wait3A_335 = tpu.memref_slice %arg4[%select_n3A, %select_n3A_32, %dma_wait3A_334] : memref<4x4096x1024xf32, #tpu.memory_space<hbm>> -> memref<1x8x1024xf32, #tpu.memory_space<hbm>>
        %dma_wait3A_336 = tpu.memref_squeeze %dma_wait3A_335 : memref<1x8x1024xf32, #tpu.memory_space<hbm>> -> memref<8x1024xf32, #tpu.memory_space<hbm>>
        %dma_wait3A_337 = arith.constant 0 : i32
        %dma_wait3A_338 = tpu.memref_slice %arg4[%select_n3A, %select_n3A_32, %dma_wait3A_337] : memref<4x4096x1024xf32, #tpu.memory_space<hbm>> -> memref<1x8x1024xf32, #tpu.memory_space<hbm>>
        %dma_wait3A_339 = tpu.memref_squeeze %dma_wait3A_338 : memref<1x8x1024xf32, #tpu.memory_space<hbm>> -> memref<8x1024xf32, #tpu.memory_space<hbm>>
        tpu.wait_dma2 semaphore(%arg28 : memref<!tpu.dma_semaphore, #tpu.memory_space<semaphore_mem>>) src(%arg12 : memref<8x1024xf32, #tpu.memory_space<vmem>>) dst(%dma_wait3A_339 : memref<8x1024xf32, #tpu.memory_space<hbm>>)
      } else {
      }
      %add3A_167 = arith.constant 4 : i32
      %add3A_168 = arith.addi %add3A_145, %add3A_167 : i32
      %lt3A_169 = arith.constant 64 : i32
      %lt3A_170 = arith.cmpi slt, %add3A_168, %lt3A_169 : i32
      %convert_element_type3A_171 = arith.extui %lt3A_170 : i1 to i32
      %cond3A_172 = arith.constant 0 : i32
      %cond3A_173 = arith.cmpi ne, %convert_element_type3A_171, %cond3A_172 : i32
      scf.if %cond3A_173 {
        %add3A_334 = arith.constant 4 : i32
        %add3A_335 = arith.addi %add3A_145, %add3A_334 : i32
        %mul3A_336 = arith.constant 8 : i32
        %mul3A_337 = arith.muli %add3A_335, %mul3A_336 : i32
        %dma_start3A_338 = tpu.memref_slice %arg5[%mul3A_337] : memref<512xi32, #tpu.memory_space<vmem>> -> memref<8xi32, #tpu.memory_space<vmem>>
        %dma_start3A_339 = arith.constant 0 : i32
        %dma_start3A_340 = arith.constant 0 : i32
        %dma_start3A_341 = tpu.memref_slice %arg3[%dma_start3A_339, %dma_start3A_340] : memref<4096x1024xf32, #tpu.memory_space<hbm>> -> memref<4096x1024xf32, #tpu.memory_space<hbm>>
        tpu.enqueue_indirect_dma source(%dma_start3A_341 : memref<4096x1024xf32, #tpu.memory_space<hbm>>) target(%arg12 : memref<8x1024xf32, #tpu.memory_space<vmem>>) offsets(%dma_start3A_338 : memref<8xi32, #tpu.memory_space<vmem>>) semaphore(%arg20 : memref<!tpu.dma_semaphore, #tpu.memory_space<semaphore_mem>>)
      } else {
      }
      %mul3A_174 = arith.constant 8 : i32
      %mul3A_175 = arith.muli %scan3A_80, %mul3A_174 : i32
      %add3A_176 = arith.constant 3 : i32
      %add3A_177 = arith.addi %mul3A_175, %add3A_176 : i32
      %dma_wait3A_178 = arith.constant 0 : i32
      %dma_wait3A_179 = tpu.memref_slice %arg5[%dma_wait3A_178] : memref<512xi32, #tpu.memory_space<vmem>> -> memref<8xi32, #tpu.memory_space<vmem>>
      %dma_wait3A_180 = arith.constant 0 : i32
      %dma_wait3A_181 = arith.constant 0 : i32
      %dma_wait3A_182 = tpu.memref_slice %arg3[%dma_wait3A_180, %dma_wait3A_181] : memref<4096x1024xf32, #tpu.memory_space<hbm>> -> memref<4096x1024xf32, #tpu.memory_space<hbm>>
      tpu.wait_indirect_dma semaphore(%arg17 : memref<!tpu.dma_semaphore, #tpu.memory_space<semaphore_mem>>) src(%dma_wait3A_182 : memref<4096x1024xf32, #tpu.memory_space<hbm>>) dst(%arg9 : memref<8x1024xf32, #tpu.memory_space<vmem>>)
      %mul3A_183 = arith.constant 8 : i32
      %mul3A_184 = arith.muli %add3A_177, %mul3A_183 : i32
      %add3A_185 = arith.addi %select_n3A_32, %mul3A_184 : i32
      %dma_start3A_186 = arith.constant 0 : i32
      %dma_start3A_187 = tpu.memref_slice %arg4[%select_n3A, %add3A_185, %dma_start3A_186] : memref<4x4096x1024xf32, #tpu.memory_space<hbm>> -> memref<1x8x1024xf32, #tpu.memory_space<hbm>>
      %dma_start3A_188 = tpu.memref_squeeze %dma_start3A_187 : memref<1x8x1024xf32, #tpu.memory_space<hbm>> -> memref<8x1024xf32, #tpu.memory_space<hbm>>
      %dma_start3A_189 = arith.constant 0 : i32
      %dma_start3A_190 = tpu.memref_slice %arg4[%select_n3A, %add3A_185, %dma_start3A_189] : memref<4x4096x1024xf32, #tpu.memory_space<hbm>> -> memref<1x8x1024xf32, #tpu.memory_space<hbm>>
      %dma_start3A_191 = tpu.memref_squeeze %dma_start3A_190 : memref<1x8x1024xf32, #tpu.memory_space<hbm>> -> memref<8x1024xf32, #tpu.memory_space<hbm>>
      tpu.enqueue_dma source(%arg9 : memref<8x1024xf32, #tpu.memory_space<vmem>>) target(%dma_start3A_191 : memref<8x1024xf32, #tpu.memory_space<hbm>>) target_semaphore(%arg25 : memref<!tpu.dma_semaphore, #tpu.memory_space<semaphore_mem>>)
      %add3A_192 = arith.constant 4 : i32
      %add3A_193 = arith.addi %add3A_177, %add3A_192 : i32
      %ge3A_194 = arith.constant 8 : i32
      %ge3A_195 = arith.cmpi sge, %add3A_193, %ge3A_194 : i32
      %convert_element_type3A_196 = arith.extui %ge3A_195 : i1 to i32
      %cond3A_197 = arith.constant 0 : i32
      %cond3A_198 = arith.cmpi ne, %convert_element_type3A_196, %cond3A_197 : i32
      scf.if %cond3A_198 {
        %dma_wait3A_334 = arith.constant 0 : i32
        %dma_wait3A_335 = tpu.memref_slice %arg4[%select_n3A, %select_n3A_32, %dma_wait3A_334] : memref<4x4096x1024xf32, #tpu.memory_space<hbm>> -> memref<1x8x1024xf32, #tpu.memory_space<hbm>>
        %dma_wait3A_336 = tpu.memref_squeeze %dma_wait3A_335 : memref<1x8x1024xf32, #tpu.memory_space<hbm>> -> memref<8x1024xf32, #tpu.memory_space<hbm>>
        %dma_wait3A_337 = arith.constant 0 : i32
        %dma_wait3A_338 = tpu.memref_slice %arg4[%select_n3A, %select_n3A_32, %dma_wait3A_337] : memref<4x4096x1024xf32, #tpu.memory_space<hbm>> -> memref<1x8x1024xf32, #tpu.memory_space<hbm>>
        %dma_wait3A_339 = tpu.memref_squeeze %dma_wait3A_338 : memref<1x8x1024xf32, #tpu.memory_space<hbm>> -> memref<8x1024xf32, #tpu.memory_space<hbm>>
        tpu.wait_dma2 semaphore(%arg29 : memref<!tpu.dma_semaphore, #tpu.memory_space<semaphore_mem>>) src(%arg13 : memref<8x1024xf32, #tpu.memory_space<vmem>>) dst(%dma_wait3A_339 : memref<8x1024xf32, #tpu.memory_space<hbm>>)
      } else {
      }
      %add3A_199 = arith.constant 4 : i32
      %add3A_200 = arith.addi %add3A_177, %add3A_199 : i32
      %lt3A_201 = arith.constant 64 : i32
      %lt3A_202 = arith.cmpi slt, %add3A_200, %lt3A_201 : i32
      %convert_element_type3A_203 = arith.extui %lt3A_202 : i1 to i32
      %cond3A_204 = arith.constant 0 : i32
      %cond3A_205 = arith.cmpi ne, %convert_element_type3A_203, %cond3A_204 : i32
      scf.if %cond3A_205 {
        %add3A_334 = arith.constant 4 : i32
        %add3A_335 = arith.addi %add3A_177, %add3A_334 : i32
        %mul3A_336 = arith.constant 8 : i32
        %mul3A_337 = arith.muli %add3A_335, %mul3A_336 : i32
        %dma_start3A_338 = tpu.memref_slice %arg5[%mul3A_337] : memref<512xi32, #tpu.memory_space<vmem>> -> memref<8xi32, #tpu.memory_space<vmem>>
        %dma_start3A_339 = arith.constant 0 : i32
        %dma_start3A_340 = arith.constant 0 : i32
        %dma_start3A_341 = tpu.memref_slice %arg3[%dma_start3A_339, %dma_start3A_340] : memref<4096x1024xf32, #tpu.memory_space<hbm>> -> memref<4096x1024xf32, #tpu.memory_space<hbm>>
        tpu.enqueue_indirect_dma source(%dma_start3A_341 : memref<4096x1024xf32, #tpu.memory_space<hbm>>) target(%arg13 : memref<8x1024xf32, #tpu.memory_space<vmem>>) offsets(%dma_start3A_338 : memref<8xi32, #tpu.memory_space<vmem>>) semaphore(%arg21 : memref<!tpu.dma_semaphore, #tpu.memory_space<semaphore_mem>>)
      } else {
      }
      %mul3A_206 = arith.constant 8 : i32
      %mul3A_207 = arith.muli %scan3A_80, %mul3A_206 : i32
      %add3A_208 = arith.constant 4 : i32
      %add3A_209 = arith.addi %mul3A_207, %add3A_208 : i32
      %dma_wait3A_210 = arith.constant 0 : i32
      %dma_wait3A_211 = tpu.memref_slice %arg5[%dma_wait3A_210] : memref<512xi32, #tpu.memory_space<vmem>> -> memref<8xi32, #tpu.memory_space<vmem>>
      %dma_wait3A_212 = arith.constant 0 : i32
      %dma_wait3A_213 = arith.constant 0 : i32
      %dma_wait3A_214 = tpu.memref_slice %arg3[%dma_wait3A_212, %dma_wait3A_213] : memref<4096x1024xf32, #tpu.memory_space<hbm>> -> memref<4096x1024xf32, #tpu.memory_space<hbm>>
      tpu.wait_indirect_dma semaphore(%arg18 : memref<!tpu.dma_semaphore, #tpu.memory_space<semaphore_mem>>) src(%dma_wait3A_214 : memref<4096x1024xf32, #tpu.memory_space<hbm>>) dst(%arg10 : memref<8x1024xf32, #tpu.memory_space<vmem>>)
      %mul3A_215 = arith.constant 8 : i32
      %mul3A_216 = arith.muli %add3A_209, %mul3A_215 : i32
      %add3A_217 = arith.addi %select_n3A_32, %mul3A_216 : i32
      %dma_start3A_218 = arith.constant 0 : i32
      %dma_start3A_219 = tpu.memref_slice %arg4[%select_n3A, %add3A_217, %dma_start3A_218] : memref<4x4096x1024xf32, #tpu.memory_space<hbm>> -> memref<1x8x1024xf32, #tpu.memory_space<hbm>>
      %dma_start3A_220 = tpu.memref_squeeze %dma_start3A_219 : memref<1x8x1024xf32, #tpu.memory_space<hbm>> -> memref<8x1024xf32, #tpu.memory_space<hbm>>
      %dma_start3A_221 = arith.constant 0 : i32
      %dma_start3A_222 = tpu.memref_slice %arg4[%select_n3A, %add3A_217, %dma_start3A_221] : memref<4x4096x1024xf32, #tpu.memory_space<hbm>> -> memref<1x8x1024xf32, #tpu.memory_space<hbm>>
      %dma_start3A_223 = tpu.memref_squeeze %dma_start3A_222 : memref<1x8x1024xf32, #tpu.memory_space<hbm>> -> memref<8x1024xf32, #tpu.memory_space<hbm>>
      tpu.enqueue_dma source(%arg10 : memref<8x1024xf32, #tpu.memory_space<vmem>>) target(%dma_start3A_223 : memref<8x1024xf32, #tpu.memory_space<hbm>>) target_semaphore(%arg26 : memref<!tpu.dma_semaphore, #tpu.memory_space<semaphore_mem>>)
      %add3A_224 = arith.constant 4 : i32
      %add3A_225 = arith.addi %add3A_209, %add3A_224 : i32
      %ge3A_226 = arith.constant 8 : i32
      %ge3A_227 = arith.cmpi sge, %add3A_225, %ge3A_226 : i32
      %convert_element_type3A_228 = arith.extui %ge3A_227 : i1 to i32
      %cond3A_229 = arith.constant 0 : i32
      %cond3A_230 = arith.cmpi ne, %convert_element_type3A_228, %cond3A_229 : i32
      scf.if %cond3A_230 {
        %dma_wait3A_334 = arith.constant 0 : i32
        %dma_wait3A_335 = tpu.memref_slice %arg4[%select_n3A, %select_n3A_32, %dma_wait3A_334] : memref<4x4096x1024xf32, #tpu.memory_space<hbm>> -> memref<1x8x1024xf32, #tpu.memory_space<hbm>>
        %dma_wait3A_336 = tpu.memref_squeeze %dma_wait3A_335 : memref<1x8x1024xf32, #tpu.memory_space<hbm>> -> memref<8x1024xf32, #tpu.memory_space<hbm>>
        %dma_wait3A_337 = arith.constant 0 : i32
        %dma_wait3A_338 = tpu.memref_slice %arg4[%select_n3A, %select_n3A_32, %dma_wait3A_337] : memref<4x4096x1024xf32, #tpu.memory_space<hbm>> -> memref<1x8x1024xf32, #tpu.memory_space<hbm>>
        %dma_wait3A_339 = tpu.memref_squeeze %dma_wait3A_338 : memref<1x8x1024xf32, #tpu.memory_space<hbm>> -> memref<8x1024xf32, #tpu.memory_space<hbm>>
        tpu.wait_dma2 semaphore(%arg22 : memref<!tpu.dma_semaphore, #tpu.memory_space<semaphore_mem>>) src(%arg6 : memref<8x1024xf32, #tpu.memory_space<vmem>>) dst(%dma_wait3A_339 : memref<8x1024xf32, #tpu.memory_space<hbm>>)
      } else {
      }
      %add3A_231 = arith.constant 4 : i32
      %add3A_232 = arith.addi %add3A_209, %add3A_231 : i32
      %lt3A_233 = arith.constant 64 : i32
      %lt3A_234 = arith.cmpi slt, %add3A_232, %lt3A_233 : i32
      %convert_element_type3A_235 = arith.extui %lt3A_234 : i1 to i32
      %cond3A_236 = arith.constant 0 : i32
      %cond3A_237 = arith.cmpi ne, %convert_element_type3A_235, %cond3A_236 : i32
      scf.if %cond3A_237 {
        %add3A_334 = arith.constant 4 : i32
        %add3A_335 = arith.addi %add3A_209, %add3A_334 : i32
        %mul3A_336 = arith.constant 8 : i32
        %mul3A_337 = arith.muli %add3A_335, %mul3A_336 : i32
        %dma_start3A_338 = tpu.memref_slice %arg5[%mul3A_337] : memref<512xi32, #tpu.memory_space<vmem>> -> memref<8xi32, #tpu.memory_space<vmem>>
        %dma_start3A_339 = arith.constant 0 : i32
        %dma_start3A_340 = arith.constant 0 : i32
        %dma_start3A_341 = tpu.memref_slice %arg3[%dma_start3A_339, %dma_start3A_340] : memref<4096x1024xf32, #tpu.memory_space<hbm>> -> memref<4096x1024xf32, #tpu.memory_space<hbm>>
        tpu.enqueue_indirect_dma source(%dma_start3A_341 : memref<4096x1024xf32, #tpu.memory_space<hbm>>) target(%arg6 : memref<8x1024xf32, #tpu.memory_space<vmem>>) offsets(%dma_start3A_338 : memref<8xi32, #tpu.memory_space<vmem>>) semaphore(%arg14 : memref<!tpu.dma_semaphore, #tpu.memory_space<semaphore_mem>>)
      } else {
      }
      %mul3A_238 = arith.constant 8 : i32
      %mul3A_239 = arith.muli %scan3A_80, %mul3A_238 : i32
      %add3A_240 = arith.constant 5 : i32
      %add3A_241 = arith.addi %mul3A_239, %add3A_240 : i32
      %dma_wait3A_242 = arith.constant 0 : i32
      %dma_wait3A_243 = tpu.memref_slice %arg5[%dma_wait3A_242] : memref<512xi32, #tpu.memory_space<vmem>> -> memref<8xi32, #tpu.memory_space<vmem>>
      %dma_wait3A_244 = arith.constant 0 : i32
      %dma_wait3A_245 = arith.constant 0 : i32
      %dma_wait3A_246 = tpu.memref_slice %arg3[%dma_wait3A_244, %dma_wait3A_245] : memref<4096x1024xf32, #tpu.memory_space<hbm>> -> memref<4096x1024xf32, #tpu.memory_space<hbm>>
      tpu.wait_indirect_dma semaphore(%arg19 : memref<!tpu.dma_semaphore, #tpu.memory_space<semaphore_mem>>) src(%dma_wait3A_246 : memref<4096x1024xf32, #tpu.memory_space<hbm>>) dst(%arg11 : memref<8x1024xf32, #tpu.memory_space<vmem>>)
      %mul3A_247 = arith.constant 8 : i32
      %mul3A_248 = arith.muli %add3A_241, %mul3A_247 : i32
      %add3A_249 = arith.addi %select_n3A_32, %mul3A_248 : i32
      %dma_start3A_250 = arith.constant 0 : i32
      %dma_start3A_251 = tpu.memref_slice %arg4[%select_n3A, %add3A_249, %dma_start3A_250] : memref<4x4096x1024xf32, #tpu.memory_space<hbm>> -> memref<1x8x1024xf32, #tpu.memory_space<hbm>>
      %dma_start3A_252 = tpu.memref_squeeze %dma_start3A_251 : memref<1x8x1024xf32, #tpu.memory_space<hbm>> -> memref<8x1024xf32, #tpu.memory_space<hbm>>
      %dma_start3A_253 = arith.constant 0 : i32
      %dma_start3A_254 = tpu.memref_slice %arg4[%select_n3A, %add3A_249, %dma_start3A_253] : memref<4x4096x1024xf32, #tpu.memory_space<hbm>> -> memref<1x8x1024xf32, #tpu.memory_space<hbm>>
      %dma_start3A_255 = tpu.memref_squeeze %dma_start3A_254 : memref<1x8x1024xf32, #tpu.memory_space<hbm>> -> memref<8x1024xf32, #tpu.memory_space<hbm>>
      tpu.enqueue_dma source(%arg11 : memref<8x1024xf32, #tpu.memory_space<vmem>>) target(%dma_start3A_255 : memref<8x1024xf32, #tpu.memory_space<hbm>>) target_semaphore(%arg27 : memref<!tpu.dma_semaphore, #tpu.memory_space<semaphore_mem>>)
      %add3A_256 = arith.constant 4 : i32
      %add3A_257 = arith.addi %add3A_241, %add3A_256 : i32
      %ge3A_258 = arith.constant 8 : i32
      %ge3A_259 = arith.cmpi sge, %add3A_257, %ge3A_258 : i32
      %convert_element_type3A_260 = arith.extui %ge3A_259 : i1 to i32
      %cond3A_261 = arith.constant 0 : i32
      %cond3A_262 = arith.cmpi ne, %convert_element_type3A_260, %cond3A_261 : i32
      scf.if %cond3A_262 {
        %dma_wait3A_334 = arith.constant 0 : i32
        %dma_wait3A_335 = tpu.memref_slice %arg4[%select_n3A, %select_n3A_32, %dma_wait3A_334] : memref<4x4096x1024xf32, #tpu.memory_space<hbm>> -> memref<1x8x1024xf32, #tpu.memory_space<hbm>>
        %dma_wait3A_336 = tpu.memref_squeeze %dma_wait3A_335 : memref<1x8x1024xf32, #tpu.memory_space<hbm>> -> memref<8x1024xf32, #tpu.memory_space<hbm>>
        %dma_wait3A_337 = arith.constant 0 : i32
        %dma_wait3A_338 = tpu.memref_slice %arg4[%select_n3A, %select_n3A_32, %dma_wait3A_337] : memref<4x4096x1024xf32, #tpu.memory_space<hbm>> -> memref<1x8x1024xf32, #tpu.memory_space<hbm>>
        %dma_wait3A_339 = tpu.memref_squeeze %dma_wait3A_338 : memref<1x8x1024xf32, #tpu.memory_space<hbm>> -> memref<8x1024xf32, #tpu.memory_space<hbm>>
        tpu.wait_dma2 semaphore(%arg23 : memref<!tpu.dma_semaphore, #tpu.memory_space<semaphore_mem>>) src(%arg7 : memref<8x1024xf32, #tpu.memory_space<vmem>>) dst(%dma_wait3A_339 : memref<8x1024xf32, #tpu.memory_space<hbm>>)
      } else {
      }
      %add3A_263 = arith.constant 4 : i32
      %add3A_264 = arith.addi %add3A_241, %add3A_263 : i32
      %lt3A_265 = arith.constant 64 : i32
      %lt3A_266 = arith.cmpi slt, %add3A_264, %lt3A_265 : i32
      %convert_element_type3A_267 = arith.extui %lt3A_266 : i1 to i32
      %cond3A_268 = arith.constant 0 : i32
      %cond3A_269 = arith.cmpi ne, %convert_element_type3A_267, %cond3A_268 : i32
      scf.if %cond3A_269 {
        %add3A_334 = arith.constant 4 : i32
        %add3A_335 = arith.addi %add3A_241, %add3A_334 : i32
        %mul3A_336 = arith.constant 8 : i32
        %mul3A_337 = arith.muli %add3A_335, %mul3A_336 : i32
        %dma_start3A_338 = tpu.memref_slice %arg5[%mul3A_337] : memref<512xi32, #tpu.memory_space<vmem>> -> memref<8xi32, #tpu.memory_space<vmem>>
        %dma_start3A_339 = arith.constant 0 : i32
        %dma_start3A_340 = arith.constant 0 : i32
        %dma_start3A_341 = tpu.memref_slice %arg3[%dma_start3A_339, %dma_start3A_340] : memref<4096x1024xf32, #tpu.memory_space<hbm>> -> memref<4096x1024xf32, #tpu.memory_space<hbm>>
        tpu.enqueue_indirect_dma source(%dma_start3A_341 : memref<4096x1024xf32, #tpu.memory_space<hbm>>) target(%arg7 : memref<8x1024xf32, #tpu.memory_space<vmem>>) offsets(%dma_start3A_338 : memref<8xi32, #tpu.memory_space<vmem>>) semaphore(%arg15 : memref<!tpu.dma_semaphore, #tpu.memory_space<semaphore_mem>>)
      } else {
      }
      %mul3A_270 = arith.constant 8 : i32
      %mul3A_271 = arith.muli %scan3A_80, %mul3A_270 : i32
      %add3A_272 = arith.constant 6 : i32
      %add3A_273 = arith.addi %mul3A_271, %add3A_272 : i32
      %dma_wait3A_274 = arith.constant 0 : i32
      %dma_wait3A_275 = tpu.memref_slice %arg5[%dma_wait3A_274] : memref<512xi32, #tpu.memory_space<vmem>> -> memref<8xi32, #tpu.memory_space<vmem>>
      %dma_wait3A_276 = arith.constant 0 : i32
      %dma_wait3A_277 = arith.constant 0 : i32
      %dma_wait3A_278 = tpu.memref_slice %arg3[%dma_wait3A_276, %dma_wait3A_277] : memref<4096x1024xf32, #tpu.memory_space<hbm>> -> memref<4096x1024xf32, #tpu.memory_space<hbm>>
      tpu.wait_indirect_dma semaphore(%arg20 : memref<!tpu.dma_semaphore, #tpu.memory_space<semaphore_mem>>) src(%dma_wait3A_278 : memref<4096x1024xf32, #tpu.memory_space<hbm>>) dst(%arg12 : memref<8x1024xf32, #tpu.memory_space<vmem>>)
      %mul3A_279 = arith.constant 8 : i32
      %mul3A_280 = arith.muli %add3A_273, %mul3A_279 : i32
      %add3A_281 = arith.addi %select_n3A_32, %mul3A_280 : i32
      %dma_start3A_282 = arith.constant 0 : i32
      %dma_start3A_283 = tpu.memref_slice %arg4[%select_n3A, %add3A_281, %dma_start3A_282] : memref<4x4096x1024xf32, #tpu.memory_space<hbm>> -> memref<1x8x1024xf32, #tpu.memory_space<hbm>>
      %dma_start3A_284 = tpu.memref_squeeze %dma_start3A_283 : memref<1x8x1024xf32, #tpu.memory_space<hbm>> -> memref<8x1024xf32, #tpu.memory_space<hbm>>
      %dma_start3A_285 = arith.constant 0 : i32
      %dma_start3A_286 = tpu.memref_slice %arg4[%select_n3A, %add3A_281, %dma_start3A_285] : memref<4x4096x1024xf32, #tpu.memory_space<hbm>> -> memref<1x8x1024xf32, #tpu.memory_space<hbm>>
      %dma_start3A_287 = tpu.memref_squeeze %dma_start3A_286 : memref<1x8x1024xf32, #tpu.memory_space<hbm>> -> memref<8x1024xf32, #tpu.memory_space<hbm>>
      tpu.enqueue_dma source(%arg12 : memref<8x1024xf32, #tpu.memory_space<vmem>>) target(%dma_start3A_287 : memref<8x1024xf32, #tpu.memory_space<hbm>>) target_semaphore(%arg28 : memref<!tpu.dma_semaphore, #tpu.memory_space<semaphore_mem>>)
      %add3A_288 = arith.constant 4 : i32
      %add3A_289 = arith.addi %add3A_273, %add3A_288 : i32
      %ge3A_290 = arith.constant 8 : i32
      %ge3A_291 = arith.cmpi sge, %add3A_289, %ge3A_290 : i32
      %convert_element_type3A_292 = arith.extui %ge3A_291 : i1 to i32
      %cond3A_293 = arith.constant 0 : i32
      %cond3A_294 = arith.cmpi ne, %convert_element_type3A_292, %cond3A_293 : i32
      scf.if %cond3A_294 {
        %dma_wait3A_334 = arith.constant 0 : i32
        %dma_wait3A_335 = tpu.memref_slice %arg4[%select_n3A, %select_n3A_32, %dma_wait3A_334] : memref<4x4096x1024xf32, #tpu.memory_space<hbm>> -> memref<1x8x1024xf32, #tpu.memory_space<hbm>>
        %dma_wait3A_336 = tpu.memref_squeeze %dma_wait3A_335 : memref<1x8x1024xf32, #tpu.memory_space<hbm>> -> memref<8x1024xf32, #tpu.memory_space<hbm>>
        %dma_wait3A_337 = arith.constant 0 : i32
        %dma_wait3A_338 = tpu.memref_slice %arg4[%select_n3A, %select_n3A_32, %dma_wait3A_337] : memref<4x4096x1024xf32, #tpu.memory_space<hbm>> -> memref<1x8x1024xf32, #tpu.memory_space<hbm>>
        %dma_wait3A_339 = tpu.memref_squeeze %dma_wait3A_338 : memref<1x8x1024xf32, #tpu.memory_space<hbm>> -> memref<8x1024xf32, #tpu.memory_space<hbm>>
        tpu.wait_dma2 semaphore(%arg24 : memref<!tpu.dma_semaphore, #tpu.memory_space<semaphore_mem>>) src(%arg8 : memref<8x1024xf32, #tpu.memory_space<vmem>>) dst(%dma_wait3A_339 : memref<8x1024xf32, #tpu.memory_space<hbm>>)
      } else {
      }
      %add3A_295 = arith.constant 4 : i32
      %add3A_296 = arith.addi %add3A_273, %add3A_295 : i32
      %lt3A_297 = arith.constant 64 : i32
      %lt3A_298 = arith.cmpi slt, %add3A_296, %lt3A_297 : i32
      %convert_element_type3A_299 = arith.extui %lt3A_298 : i1 to i32
      %cond3A_300 = arith.constant 0 : i32
      %cond3A_301 = arith.cmpi ne, %convert_element_type3A_299, %cond3A_300 : i32
      scf.if %cond3A_301 {
        %add3A_334 = arith.constant 4 : i32
        %add3A_335 = arith.addi %add3A_273, %add3A_334 : i32
        %mul3A_336 = arith.constant 8 : i32
        %mul3A_337 = arith.muli %add3A_335, %mul3A_336 : i32
        %dma_start3A_338 = tpu.memref_slice %arg5[%mul3A_337] : memref<512xi32, #tpu.memory_space<vmem>> -> memref<8xi32, #tpu.memory_space<vmem>>
        %dma_start3A_339 = arith.constant 0 : i32
        %dma_start3A_340 = arith.constant 0 : i32
        %dma_start3A_341 = tpu.memref_slice %arg3[%dma_start3A_339, %dma_start3A_340] : memref<4096x1024xf32, #tpu.memory_space<hbm>> -> memref<4096x1024xf32, #tpu.memory_space<hbm>>
        tpu.enqueue_indirect_dma source(%dma_start3A_341 : memref<4096x1024xf32, #tpu.memory_space<hbm>>) target(%arg8 : memref<8x1024xf32, #tpu.memory_space<vmem>>) offsets(%dma_start3A_338 : memref<8xi32, #tpu.memory_space<vmem>>) semaphore(%arg16 : memref<!tpu.dma_semaphore, #tpu.memory_space<semaphore_mem>>)
      } else {
      }
      %mul3A_302 = arith.constant 8 : i32
      %mul3A_303 = arith.muli %scan3A_80, %mul3A_302 : i32
      %add3A_304 = arith.constant 7 : i32
      %add3A_305 = arith.addi %mul3A_303, %add3A_304 : i32
      %dma_wait3A_306 = arith.constant 0 : i32
      %dma_wait3A_307 = tpu.memref_slice %arg5[%dma_wait3A_306] : memref<512xi32, #tpu.memory_space<vmem>> -> memref<8xi32, #tpu.memory_space<vmem>>
      %dma_wait3A_308 = arith.constant 0 : i32
      %dma_wait3A_309 = arith.constant 0 : i32
      %dma_wait3A_310 = tpu.memref_slice %arg3[%dma_wait3A_308, %dma_wait3A_309] : memref<4096x1024xf32, #tpu.memory_space<hbm>> -> memref<4096x1024xf32, #tpu.memory_space<hbm>>
      tpu.wait_indirect_dma semaphore(%arg21 : memref<!tpu.dma_semaphore, #tpu.memory_space<semaphore_mem>>) src(%dma_wait3A_310 : memref<4096x1024xf32, #tpu.memory_space<hbm>>) dst(%arg13 : memref<8x1024xf32, #tpu.memory_space<vmem>>)
      %mul3A_311 = arith.constant 8 : i32
      %mul3A_312 = arith.muli %add3A_305, %mul3A_311 : i32
      %add3A_313 = arith.addi %select_n3A_32, %mul3A_312 : i32
      %dma_start3A_314 = arith.constant 0 : i32
      %dma_start3A_315 = tpu.memref_slice %arg4[%select_n3A, %add3A_313, %dma_start3A_314] : memref<4x4096x1024xf32, #tpu.memory_space<hbm>> -> memref<1x8x1024xf32, #tpu.memory_space<hbm>>
      %dma_start3A_316 = tpu.memref_squeeze %dma_start3A_315 : memref<1x8x1024xf32, #tpu.memory_space<hbm>> -> memref<8x1024xf32, #tpu.memory_space<hbm>>
      %dma_start3A_317 = arith.constant 0 : i32
      %dma_start3A_318 = tpu.memref_slice %arg4[%select_n3A, %add3A_313, %dma_start3A_317] : memref<4x4096x1024xf32, #tpu.memory_space<hbm>> -> memref<1x8x1024xf32, #tpu.memory_space<hbm>>
      %dma_start3A_319 = tpu.memref_squeeze %dma_start3A_318 : memref<1x8x1024xf32, #tpu.memory_space<hbm>> -> memref<8x1024xf32, #tpu.memory_space<hbm>>
      tpu.enqueue_dma source(%arg13 : memref<8x1024xf32, #tpu.memory_space<vmem>>) target(%dma_start3A_319 : memref<8x1024xf32, #tpu.memory_space<hbm>>) target_semaphore(%arg29 : memref<!tpu.dma_semaphore, #tpu.memory_space<semaphore_mem>>)
      %add3A_320 = arith.constant 4 : i32
      %add3A_321 = arith.addi %add3A_305, %add3A_320 : i32
      %ge3A_322 = arith.constant 8 : i32
      %ge3A_323 = arith.cmpi sge, %add3A_321, %ge3A_322 : i32
      %convert_element_type3A_324 = arith.extui %ge3A_323 : i1 to i32
      %cond3A_325 = arith.constant 0 : i32
      %cond3A_326 = arith.cmpi ne, %convert_element_type3A_324, %cond3A_325 : i32
      scf.if %cond3A_326 {
        %dma_wait3A_334 = arith.constant 0 : i32
        %dma_wait3A_335 = tpu.memref_slice %arg4[%select_n3A, %select_n3A_32, %dma_wait3A_334] : memref<4x4096x1024xf32, #tpu.memory_space<hbm>> -> memref<1x8x1024xf32, #tpu.memory_space<hbm>>
        %dma_wait3A_336 = tpu.memref_squeeze %dma_wait3A_335 : memref<1x8x1024xf32, #tpu.memory_space<hbm>> -> memref<8x1024xf32, #tpu.memory_space<hbm>>
        %dma_wait3A_337 = arith.constant 0 : i32
        %dma_wait3A_338 = tpu.memref_slice %arg4[%select_n3A, %select_n3A_32, %dma_wait3A_337] : memref<4x4096x1024xf32, #tpu.memory_space<hbm>> -> memref<1x8x1024xf32, #tpu.memory_space<hbm>>
        %dma_wait3A_339 = tpu.memref_squeeze %dma_wait3A_338 : memref<1x8x1024xf32, #tpu.memory_space<hbm>> -> memref<8x1024xf32, #tpu.memory_space<hbm>>
        tpu.wait_dma2 semaphore(%arg25 : memref<!tpu.dma_semaphore, #tpu.memory_space<semaphore_mem>>) src(%arg9 : memref<8x1024xf32, #tpu.memory_space<vmem>>) dst(%dma_wait3A_339 : memref<8x1024xf32, #tpu.memory_space<hbm>>)
      } else {
      }
      %add3A_327 = arith.constant 4 : i32
      %add3A_328 = arith.addi %add3A_305, %add3A_327 : i32
      %lt3A_329 = arith.constant 64 : i32
      %lt3A_330 = arith.cmpi slt, %add3A_328, %lt3A_329 : i32
      %convert_element_type3A_331 = arith.extui %lt3A_330 : i1 to i32
      %cond3A_332 = arith.constant 0 : i32
      %cond3A_333 = arith.cmpi ne, %convert_element_type3A_331, %cond3A_332 : i32
      scf.if %cond3A_333 {
        %add3A_334 = arith.constant 4 : i32
        %add3A_335 = arith.addi %add3A_305, %add3A_334 : i32
        %mul3A_336 = arith.constant 8 : i32
        %mul3A_337 = arith.muli %add3A_335, %mul3A_336 : i32
        %dma_start3A_338 = tpu.memref_slice %arg5[%mul3A_337] : memref<512xi32, #tpu.memory_space<vmem>> -> memref<8xi32, #tpu.memory_space<vmem>>
        %dma_start3A_339 = arith.constant 0 : i32
        %dma_start3A_340 = arith.constant 0 : i32
        %dma_start3A_341 = tpu.memref_slice %arg3[%dma_start3A_339, %dma_start3A_340] : memref<4096x1024xf32, #tpu.memory_space<hbm>> -> memref<4096x1024xf32, #tpu.memory_space<hbm>>
        tpu.enqueue_indirect_dma source(%dma_start3A_341 : memref<4096x1024xf32, #tpu.memory_space<hbm>>) target(%arg9 : memref<8x1024xf32, #tpu.memory_space<vmem>>) offsets(%dma_start3A_338 : memref<8xi32, #tpu.memory_space<vmem>>) semaphore(%arg17 : memref<!tpu.dma_semaphore, #tpu.memory_space<semaphore_mem>>)
      } else {
      }
    }
    %scan3A_56 = arith.constant 8 : i32
    %dma_wait3A = arith.constant 0 : i32
    %dma_wait3A_57 = tpu.memref_slice %arg4[%select_n3A, %select_n3A_32, %dma_wait3A] : memref<4x4096x1024xf32, #tpu.memory_space<hbm>> -> memref<1x8x1024xf32, #tpu.memory_space<hbm>>
    %dma_wait3A_58 = tpu.memref_squeeze %dma_wait3A_57 : memref<1x8x1024xf32, #tpu.memory_space<hbm>> -> memref<8x1024xf32, #tpu.memory_space<hbm>>
    %dma_wait3A_59 = arith.constant 0 : i32
    %dma_wait3A_60 = tpu.memref_slice %arg4[%select_n3A, %select_n3A_32, %dma_wait3A_59] : memref<4x4096x1024xf32, #tpu.memory_space<hbm>> -> memref<1x8x1024xf32, #tpu.memory_space<hbm>>
    %dma_wait3A_61 = tpu.memref_squeeze %dma_wait3A_60 : memref<1x8x1024xf32, #tpu.memory_space<hbm>> -> memref<8x1024xf32, #tpu.memory_space<hbm>>
    tpu.wait_dma2 semaphore(%arg26 : memref<!tpu.dma_semaphore, #tpu.memory_space<semaphore_mem>>) src(%arg10 : memref<8x1024xf32, #tpu.memory_space<vmem>>) dst(%dma_wait3A_61 : memref<8x1024xf32, #tpu.memory_space<hbm>>)
    %dma_wait3A_62 = arith.constant 0 : i32
    %dma_wait3A_63 = tpu.memref_slice %arg4[%select_n3A, %select_n3A_32, %dma_wait3A_62] : memref<4x4096x1024xf32, #tpu.memory_space<hbm>> -> memref<1x8x1024xf32, #tpu.memory_space<hbm>>
    %dma_wait3A_64 = tpu.memref_squeeze %dma_wait3A_63 : memref<1x8x1024xf32, #tpu.memory_space<hbm>> -> memref<8x1024xf32, #tpu.memory_space<hbm>>
    %dma_wait3A_65 = arith.constant 0 : i32
    %dma_wait3A_66 = tpu.memref_slice %arg4[%select_n3A, %select_n3A_32, %dma_wait3A_65] : memref<4x4096x1024xf32, #tpu.memory_space<hbm>> -> memref<1x8x1024xf32, #tpu.memory_space<hbm>>
    %dma_wait3A_67 = tpu.memref_squeeze %dma_wait3A_66 : memref<1x8x1024xf32, #tpu.memory_space<hbm>> -> memref<8x1024xf32, #tpu.memory_space<hbm>>
    tpu.wait_dma2 semaphore(%arg27 : memref<!tpu.dma_semaphore, #tpu.memory_space<semaphore_mem>>) src(%arg11 : memref<8x1024xf32, #tpu.memory_space<vmem>>) dst(%dma_wait3A_67 : memref<8x1024xf32, #tpu.memory_space<hbm>>)
    %dma_wait3A_68 = arith.constant 0 : i32
    %dma_wait3A_69 = tpu.memref_slice %arg4[%select_n3A, %select_n3A_32, %dma_wait3A_68] : memref<4x4096x1024xf32, #tpu.memory_space<hbm>> -> memref<1x8x1024xf32, #tpu.memory_space<hbm>>
    %dma_wait3A_70 = tpu.memref_squeeze %dma_wait3A_69 : memref<1x8x1024xf32, #tpu.memory_space<hbm>> -> memref<8x1024xf32, #tpu.memory_space<hbm>>
    %dma_wait3A_71 = arith.constant 0 : i32
    %dma_wait3A_72 = tpu.memref_slice %arg4[%select_n3A, %select_n3A_32, %dma_wait3A_71] : memref<4x4096x1024xf32, #tpu.memory_space<hbm>> -> memref<1x8x1024xf32, #tpu.memory_space<hbm>>
    %dma_wait3A_73 = tpu.memref_squeeze %dma_wait3A_72 : memref<1x8x1024xf32, #tpu.memory_space<hbm>> -> memref<8x1024xf32, #tpu.memory_space<hbm>>
    tpu.wait_dma2 semaphore(%arg28 : memref<!tpu.dma_semaphore, #tpu.memory_space<semaphore_mem>>) src(%arg12 : memref<8x1024xf32, #tpu.memory_space<vmem>>) dst(%dma_wait3A_73 : memref<8x1024xf32, #tpu.memory_space<hbm>>)
    %dma_wait3A_74 = arith.constant 0 : i32
    %dma_wait3A_75 = tpu.memref_slice %arg4[%select_n3A, %select_n3A_32, %dma_wait3A_74] : memref<4x4096x1024xf32, #tpu.memory_space<hbm>> -> memref<1x8x1024xf32, #tpu.memory_space<hbm>>
    %dma_wait3A_76 = tpu.memref_squeeze %dma_wait3A_75 : memref<1x8x1024xf32, #tpu.memory_space<hbm>> -> memref<8x1024xf32, #tpu.memory_space<hbm>>
    %dma_wait3A_77 = arith.constant 0 : i32
    %dma_wait3A_78 = tpu.memref_slice %arg4[%select_n3A, %select_n3A_32, %dma_wait3A_77] : memref<4x4096x1024xf32, #tpu.memory_space<hbm>> -> memref<1x8x1024xf32, #tpu.memory_space<hbm>>
    %dma_wait3A_79 = tpu.memref_squeeze %dma_wait3A_78 : memref<1x8x1024xf32, #tpu.memory_space<hbm>> -> memref<8x1024xf32, #tpu.memory_space<hbm>>
    tpu.wait_dma2 semaphore(%arg29 : memref<!tpu.dma_semaphore, #tpu.memory_space<semaphore_mem>>) src(%arg13 : memref<8x1024xf32, #tpu.memory_space<vmem>>) dst(%dma_wait3A_79 : memref<8x1024xf32, #tpu.memory_space<hbm>>)
    return
  }
}

</mosaic_0001>

<sc_bundles>
// kernel: kernel.3.cloned.1.call-start
scs
__scs_entry_jumppad:
0x0: {  	(pc) =	sbr.rel $0x88, $3  }
0x1: {  	(tag) =	ssettag $0x0;
	lr =	simm.s32 $0x1  }
0x2: {  	[smem:$0x3F9F] =	sst lr;
	_ =	strace $0xD0000000  }
0x3: {  	_ = 	snop  }
0x4: {  	_ = 	snop  }
0x5: {  	_ = 	snop  }
0x6: {  	_ = 	snop  }
0x7: {  	_ = 	snop  }
__scs_overlays_trampoline_lowered:
0x8: {  	[smem:$0x3FAE] =	sst s0  }
0x9: {  	[smem:$0x3FAF] =	sst s1  }
0xa: {  	[smem:$0x3FB0] =	sst s2  }
0xb: {  	[smem:$0x3FB1] =	sst s3  }
0xc: {  	[smem:$0x3FB2] =	sst s4  }
0xd: {  	[smem:$0x3FB3] =	sst s5  }
0xe: {  	[smem:$0x3FB4] =	sst s6  }
0xf: {  	[smem:$0x3FB5] =	sst s7  }
0x10: {  	[smem:$0x3FB6] =	sst s8  }
0x11: {  	[smem:$0x3FB7] =	sst s9;
	s0 =	simm.s32 @!p0 $0x0  }
0x12: {  	s1 =	sld [smem:$0x3F9D];
	s0 =	simm.s32 @p0 $0x1  }
0x13: {  	[smem:$0x3FB8] =	sst s0;
	s0 =	simm.s32 @!p1 $0x0  }
0x14: {  	s2 =	sld [smem:$0x3F9C];
	s0 =	simm.s32 @p1 $0x1  }
0x15: {  	[smem:$0x3FB9] =	sst s0;
	s0 =	simm.s32 @!p2 $0x0  }
0x16: {  	s3 =	sld [smem:$0x3FDB];
	s0 =	simm.s32 @p2 $0x1  }
0x17: {  	s4 =	simm.s32 $0x1BF5;
	[smem:$0x3FBB] =	sst s0  }
0x18: {  	s0 =	sld [smem:$0x3F9E];
	_ =	swait.ge [sflag:s4], $0x0  }
0x19: {  	s7 =	sld [smem:$0x3F9F]  }
0x1a: {  	s8 =	sadd.s32 $0xFFFFE003, lr  }
0x1b: {  	s9 =	sadd.s32 $0xFFFFFEF7, lr;
	s5 =	simm.s32 $0xFFFFFFFF;
	p2 =	slt.u32 s8, $0xFFFFF086  }
0x1c: {  	p1 =	slt.u32 s9, $0xF7A;
	s5 =	simm.s32 @!p2 $0x0  }
0x1d: {  	s5 =	simm.s32 @p1 $0x1;
	p0 =	seq.s32 s7, s2  }
0x1e: {  	s7 =	smul.u32 @!p0 $0xF7A, s2;
	p2 =	seq.s32 @!p0 s5, $0x0  }
0x1f: {  	s9 =	smul.u32 $0xF7A, s1;
	s8 =	simm.s32 @!p0 $0x1BF5;
	p2 =	por !p2, p0  }
0x20: {  	[sflag:s8] =	ssyncset.s32 @!p0 $0xFFFFF086;
	s6 =	sadd.s32 @!p0 s3, s7;
	s7 =	simm.s32 @!p0 $0x108  }
0x21: {  	s3 =	sadd.s32 s3, s9;
	s6 =	sadd.s32 @!p0 $0x88, s6;
	s7 =	simm.s32 @p2 $0x1082  }
0x22: {  	[simem:s7], [sflag:s8] =	dma.local @!p0 [hbm:s6], $0xF7A  }
0x23: {  	s9 =	sor.u32 $0xD0000000, s2;
	s6 =	simm.s32 $0x108;
	_ =	swait.ge @!p0 [sflag:s8], $0x0  }
0x24: {  	s3 =	sadd.s32 $0x88, s3;
	s6 =	simm.s32 @!p1 $0x1082;
	[sflag:s4] =	ssyncset.s32 $0xFFFFF086  }
0x25: {  	[simem:s6], [sflag:s4] =	dma.local [hbm:s3], $0xF7A  }
0x26: {  	[smem:$0x3F9F] =	sst s1;
	(tag) =	ssettag s2;
	_ =	strace s9  }
0x27: {  	s1 =	sld [smem:$0x3FAF]  }
0x28: {  	s2 =	sld [smem:$0x3FB0]  }
0x29: {  	s4 =	sld [smem:$0x3FB2]  }
0x2a: {  	p0 =	seq.s32 s5, $0x0;
	s5 =	sld [smem:$0x3FB3]  }
0x2b: {  	s6 =	sld [smem:$0x3FB4]  }
0x2c: {  	s7 =	sld [smem:$0x3FB5]  }
0x2d: {  	s3 =	simm.s32 $0x108;
	s8 =	sld [smem:$0x3FB6]  }
0x2e: {  	s3 =	simm.s32 @!p0 $0x1082;
	s9 =	sld [smem:$0x3FB7]  }
0x2f: {  	lr =	sadd.s32 s0, s3;
	s0 =	sld [smem:$0x3FAE]  }
0x30: {  	s3 =	sld [smem:$0x3FB1]  }
0x31: {  	[smem:$0x3FBA] =	sst s10  }
0x32: {  	s10 =	sld [smem:$0x3FB8];
	_ =	sdelay $0x3  }
0x33: {  	p0 =	seq.s32 s10, $0x1;
	s10 =	sld [smem:$0x3FBA];
	_ =	sdelay $0x3  }
0x34: {  	[smem:$0x3FBA] =	sst s10  }
0x35: {  	s10 =	sld [smem:$0x3FB9];
	_ =	sdelay $0x3  }
0x36: {  	p1 =	seq.s32 s10, $0x1;
	s10 =	sld [smem:$0x3FBA];
	_ =	sdelay $0x3  }
0x37: {  	[smem:$0x3FBA] =	sst s10  }
0x38: {  	s10 =	sld [smem:$0x3FBB]  }
0x39: {  	_ = 	snop;
	(pc) =	sbr.ind lr, $3  }
0x3a: {  	_ = 	snop  }
0x3b: {  	_ = 	snop  }
0x3c: {  	p2 =	seq.s32 s10, $0x1;
	s10 =	sld [smem:$0x3FBA]  }
0x3d: {  	_ =	shalt  }
0x3e: {  	_ =	shalt  }
0x3f: {  	_ =	shalt  }
0x40: {  	_ =	shalt  }
0x41: {  	_ =	shalt  }
0x42: {  	_ =	shalt  }
0x43: {  	_ =	shalt  }
0x44: {  	_ =	shalt  }
0x45: {  	_ =	shalt  }
0x46: {  	_ =	shalt  }
0x47: {  	_ =	shalt  }
0x48: {  	_ =	shalt  }
0x49: {  	_ =	shalt  }
0x4a: {  	_ =	shalt  }
0x4b: {  	_ =	shalt  }
0x4c: {  	_ =	shalt  }
0x4d: {  	_ =	shalt  }
0x4e: {  	_ =	shalt  }
0x4f: {  	_ =	shalt  }
0x50: {  	_ =	shalt  }
0x51: {  	_ =	shalt  }
0x52: {  	_ =	shalt  }
0x53: {  	_ =	shalt  }
0x54: {  	_ =	shalt  }
0x55: {  	_ =	shalt  }
0x56: {  	_ =	shalt  }
0x57: {  	_ =	shalt  }
0x58: {  	_ =	shalt  }
0x59: {  	_ =	shalt  }
0x5a: {  	_ =	shalt  }
0x5b: {  	_ =	shalt  }
0x5c: {  	_ =	shalt  }
0x5d: {  	_ =	shalt  }
0x5e: {  	_ =	shalt  }
0x5f: {  	_ =	shalt  }
0x60: {  	_ =	shalt  }
0x61: {  	_ =	shalt  }
0x62: {  	_ =	shalt  }
0x63: {  	_ =	shalt  }
0x64: {  	_ =	shalt  }
0x65: {  	_ =	shalt  }
0x66: {  	_ =	shalt  }
0x67: {  	_ =	shalt  }
0x68: {  	_ =	shalt  }
0x69: {  	_ =	shalt  }
0x6a: {  	_ =	shalt  }
0x6b: {  	_ =	shalt  }
0x6c: {  	_ =	shalt  }
0x6d: {  	_ =	shalt  }
0x6e: {  	_ =	shalt  }
0x6f: {  	_ =	shalt  }
0x70: {  	_ =	shalt  }
0x71: {  	_ =	shalt  }
0x72: {  	_ =	shalt  }
0x73: {  	_ =	shalt  }
0x74: {  	_ =	shalt  }
0x75: {  	_ =	shalt  }
0x76: {  	_ =	shalt  }
0x77: {  	_ =	shalt  }
0x78: {  	_ =	shalt  }
0x79: {  	_ =	shalt  }
0x7a: {  	_ =	shalt  }
0x7b: {  	_ =	shalt  }
0x7c: {  	_ =	shalt  }
0x7d: {  	_ =	shalt  }
0x7e: {  	_ =	shalt  }
0x7f: {  	_ =	shalt  }
0x80: {  	_ =	shalt  }
0x81: {  	_ =	shalt  }
0x82: {  	_ =	shalt  }
0x83: {  	_ =	shalt  }
0x84: {  	_ =	shalt  }
0x85: {  	_ =	shalt  }
0x86: {  	_ =	shalt  }
0x87: {  	_ =	shalt  }
.Lfunc_end0:
.L_simem_size_0:
called_computation_lowered:
.L_overlay_start_0:
0x88: {  	s2 =	sld [smem:$0x3FD9]  }
0x89: {  	s3 =	sld [smem:$0x3FFE];
	_ =	sdelay $0x1  }
0x8a: {  	s1 =	srdreg.scid  }
0x8b: {  	s0 =	sand.u32 $0x1, s1  }
0x8c: {  	s18 =	sshll.u32 s0, $0xA;
	s2 =	sadd.s32 s3, s2  }
0x8d: {  	s2 =	sadd.s32 s2, s18  }
0x8e: {  	[smem:$0x3FC6] =	sst s2  }
0x8f: {  	_ = 	snop  }
0x90: {  	s2 =	sld [smem:$0x3FC9]  }
0x91: {  	s19 =	sld [smem:$0x3FC8]  }
0x92: {  	s4 =	sld [smem:$0x3FD0];
	(tm) =	ssettm $0x1  }
0x93: {  	s5 =	sld [smem:$0x3FFB];
	_ =	sdelay $0x3  }
0x94: {  	_ =	strace s5  }
0x95: {  	s5 =	sld [smem:$0x3FFC];
	_ =	sdelay $0x3  }
0x96: {  	_ =	strace s5  }
0x97: {  	s5 =	sld [smem:$0x3FFD];
	_ =	sdelay $0x3  }
0x98: {  	_ =	strace s5  }
0x99: {  	_ =	strace $0x8FFFFFFF  }
0x9a: {  	s20 =	sld [smem:$0x3FDB];
	_ =	sdelay $0x1  }
0x9b: {  	s6 =	simm.s32 $_scs_section_size  }
0x9c: {  	s7 =	simm.s32 $_size__tile_overlayer_lowered;
	s8 =	simm.s32 $_tile_overlayer_lowered  }
0x9d: {  	s23 =	simm.s32 $0x1BFF;
	s22 =	sshll.u32 s8, $0x1;
	s5 =	sadd.s32 s6, s20  }
0x9e: {  	s9 =	simm.s32 $0x0;
	s21 =	sshll.u32 s7, $0x1;
	s7 =	sadd.s32 s22, s5  }
0x9f: {  	[timem:s9], [sflag:s23] =	dma.local [hbm:s7], s21  }
0xa0: {  	_ =	swait.ge [sflag:s23], s21  }
0xa1: {  	s6 =	ssub.s32 $0x0, s21;
	[sflag:s23] =	ssyncset.done $0x0  }
0xa2: {  	[sflag:s23] =	ssyncadd.s32 s6;
	_ =	sdelay $0x1  }
0xa3: {  	s24 =	simm.s32 $0x1B8B  }
0xa4: {  	_ =	swait.ge [sflag:s24], $0x1  }
0xa5: {  	[sflag:s24] =	ssyncset.done $0x0  }
0xa6: {  	s25 =	simm.s32 $0x1B8E;
	[sflag:s24] =	ssyncadd.s32 $0xFFFFFFFF  }
0xa7: {  	s26 =	simm.s32 $execute0_lowered;
	[smem:$0x3FD2] =	sst s25  }
0xa8: {  	s6 =	sshll.u32 s26, $0x1;
	_ =	strace $0x80000046;
	[dreg:$0x1] =	wrdreg $0xFFFFFFFF  }
0xa9: {  	s28 =	simm.s32 $_size_execute0_lowered;
	s5 =	sadd.s32 s5, s6;
	[dreg:$0x0] =	wrdreg $0x0  }
0xaa: {  	s6 =	sshll.u32 s28, $0x1;
	[dreg:$0x2] =	wrdreg s5  }
0xab: {  	[dreg:$0x3] =	wrdreg s6  }
0xac: {  	[dreg:$0x4] =	wrdreg $0xC0  }
0xad: {  	_ =	task [dreg:s9], $0x5FFFF  }
0xae: {  	[dreg:$0x1] =	wrdreg $0xFFFFFFFF  }
0xaf: {  	[dreg:$0x0] =	wrdreg $0x60  }
0xb0: {  	[dreg:$0x2] =	wrdreg s2  }
0xb1: {  	[dreg:$0x3] =	wrdreg s19  }
0xb2: {  	[dreg:$0x4] =	wrdreg s4  }
0xb3: {  	[dreg:$0x5] =	wrdreg $0x9  }
0xb4: {  	_ =	task.clear_ibuf [dreg:s9], $0x6FFFF;
	_ =	strace $0x90000046  }
0xb5: {  	s29 =	simm.s32 $0x9;
	_ =	strace $0x80000048  }
0xb6: {  	_ =	swait.ge [sflag:s29], $0x1  }
0xb7: {  	[sflag:s29] =	ssyncadd.s32 $0xFFFFFFFF  }
0xb8: {  	_ =	strace $0x90000048  }
0xb9: {  	_ =	sfence  }
0xba: {  	s30 =	sld [smem:$0x0];
	_ =	sdelay $0x2  }
0xbb: {  	s31 =	sshll.u32 s1, $0xD;
	s1 =	sshrl.u32 s1, $0x2  }
0xbc: {  	s3 =	sand.u32 $0x4000, s31;
	s1 =	sadd.s32 s1, s30  }
0xbd: {  	s0 =	sor.u32 s3, s0;
	s1 =	sshll.u32 s1, $0x11  }
0xbe: {  	s0 =	sor.u32 s1, s0  }
0xbf: {  	s0 =	sadd.s32 $0x8F2B, s0  }
0xc0: {  	[sflag:s0] =	ssyncadd.remote.s32 $0x1  }
0xc1: {  	_ =	sfence.sel $0xFFFF  }
0xc2: {  	[dreg:$0x0] =	wrdreg $0xFFFFFFFF;
	(pc) =	sbr.abs _section_cstart, $3  }
0xc3: {  	[dreg:$0x1] =	wrdreg $0xFFFFFFFF  }
0xc4: {  	_ =	task.clear_ibuf [dreg:s9], $0x2FFFF;
	_ =	strace $0x9FFFFFFF  }
0xc5: {  	(tm) =	ssettm $0x7FFFFFFF  }
tec
execute0_lowered:
.L_overlay_start_1:
0x0: {  	(tag) =	ssettag $0x1  }
0x1: {  	s0 =	rddreg [dreg:$0x0]  }
0x2: {  	s2 =	rddreg [dreg:$0x1];
	s1 =	srdreg.scid  }
0x3: {  	s11 =	stileid.u32;
	s4 =	rddreg [dreg:$0x2];
	s29 =	simm.s32 $0x2  }
0x4: {  	s30 =	simm.s32 $0xA200;
	s28 =	simm.s32 $0x4;
	s31 =	simm.s32 $0x5  }
0x5: {  	s1 =	sand.u32 $0x1, s1;
	s3 =	sshll.u32 s11, $0xA;
	s7 =	sshrl.u32 s11, $0x2  }
0x6: {  	s11 =	sand.u32 $0x3, s11;
	s5 =	sshll.u32 s1, $0x9;
	s6 =	sand.u32 $0xC00, s3  }
0x7: {  	s3 =	simm.s32 $0x0;
	s26 =	ssub.s32 $0x2, s1;
	s9 =	sshll.u32 s7, $0x7  }
0x8: {  	s14 =	sshll.u32 s7, $0x16;
	s7 =	sadd.s32 $0x300, s2;
	s19 =	sshll.u32 s11, $0x14  }
0x9: {  	s1 =	sshll.u32 s1, $0x13;
	s11 =	simm.s32 $0x0;
	s5 =	sor.u32 s5, s6  }
0xa: {  	[smem:$0x7FF] =	sst s3;
	s10 =	sshrl.u32 s26, $0x1;
	s6 =	sadd.s32 $0x200, s2  }
0xb: {  	s8 =	sshll.u32 s5, $0x2;
	_ =	strace $0x80000047;
	s12 =	ssub.s32 s26, s10  }
0xc: {  	s15 =	sshll.u32 s5, $0xA;
	s5 =	sadd.s32 $0x100, s2;
	s8 =	sor.u32 s9, s8  }
0xd: {  	s16 =	sor.u32 s15, s14;
	s9 =	smax.u32 s12, $0x1;
	s13 =	sshrl.u32 s8, $0x3  }
0xe: {  	s17 =	sor.u32 $0x8000, s16;
	[dreg:$0x5] =	wrdreg s9;
	s20 =	sor.u32 $0xA000, s16  }
0xf: {  	s26 =	sor.u32 $0xE000, s16;
	s8 =	sor.u32 $0xC000, s16;
	s0 =	sadd.s32 s0, s13  }
0x10: {  	s18 =	sshrl.u32 s17, $0x3;
	s21 =	sshrl.u32 s20, $0x3;
	s8 =	sshrl.u32 s8, $0x3  }
0x11: {  	s17 =	simm.s32 $0x7;
	s20 =	simm.s32 $0xB;
	[dreg:$0x4] =	wrdreg s0  }
0x12: {  	s0 =	sor.u32 s19, s14;
	s9 =	sadd.s32 s18, s4;
	s22 =	sadd.s32 s21, s4  }
0x13: {  	s16 =	sadd.s32 s8, s4;
	s21 =	simm.s32 $0x1;
	s19 =	simm.s32 $0x3  }
0x14: {  	s8 =	simm.s32 $0x6;
	s18 =	simm.s32 $0x8;
	[dreg:$0x6] =	wrdreg s9  }
0x15: {  	s0 =	sor.u32 s1, s0;
	[dreg:$0x7] =	wrdreg s22;
	s22 =	simm.s32 $0x8200  }
0x16: {  	s23 =	sor.u32 $0x6000, s0;
	s24 =	sor.u32 $0x4000, s0;
	s13 =	sor.u32 $0x2000, s0  }
0x17: {  	s0 =	sshrl.u32 s0, $0x3;
	s1 =	sshrl.u32 s23, $0x3;
	s9 =	sshrl.u32 s24, $0x3  }
.Ltmp0:
0x18: {  	s25 =	sshrl.u32 s13, $0x3;
	s14 =	sadd.s32 s0, s4;
	(pc) =	sbr.rel .LBB2_1-.Ltmp0, $4  }
0x19: {  	s0 =	simm.s32 $0xC200;
	s24 =	simm.s32 $0xE200;
	s23 =	simm.s32 $0xA  }
0x1a: {  	v0 =	vlaneseq.u32;
	s1 =	sadd.s32 s1, s4;
	s12 =	sadd.s32 s9, s4;
	s13 =	sadd.s32 s25, s4  }
0x1b: {  	v1 =	vshrl.u32 v0, $0x3;
	s25 =	simm.s32 $0xC;
	[dreg:$0x8] =	wrdreg s1;
	s1 =	sshrl.u32 s26, $0x3  }
0x1c: {  	vm0 =	vmmov $0xffff;
	v0 =	vand.u32 $0x7, v0;
	v1 =	vmul.u32 $0x8, v1;
	s15 =	sadd.s32 s1, s4;
	s1 =	simm.s32 $0x6200;
	s4 =	simm.s32 $0x9  }
.LBB2_4:
0x1d: {  	s9 =	simm.s32 $0xD  }
0x1e: {  	_ =	swait.ge [sflag:s9], $0x2000  }
0x1f: {  	[sflag:s9] =	ssyncset.done $0x0  }
0x20: {  	s10 =	simm.s32 $0xE;
	[sflag:s9] =	ssyncadd.s32 $0xFFFFE000  }
0x21: {  	_ =	swait.ge [sflag:s10], $0x2000  }
0x22: {  	[sflag:s10] =	ssyncset.done $0x0  }
0x23: {  	s11 =	simm.s32 $0xF;
	[sflag:s10] =	ssyncadd.s32 $0xFFFFE000  }
0x24: {  	_ =	swait.ge [sflag:s11], $0x2000  }
0x25: {  	[sflag:s11] =	ssyncset.done $0x0  }
0x26: {  	s10 =	simm.s32 $0x10;
	[sflag:s11] =	ssyncadd.s32 $0xFFFFE000  }
0x27: {  	_ =	swait.ge [sflag:s10], $0x2000  }
0x28: {  	s11 =	rddreg [dreg:$0x9]  }
0x29: {  	s26 =	rddreg [dreg:$0x5];
	s11 =	sadd.s32 $0x1, s11  }
0x2a: {  	p0 =	sne.s32 s11, s26  }
.Ltmp1:
0x2b: {  	_ = 	snop;
	(pc) =	sbr.rel @!p0 .LBB2_5-.Ltmp1, $3  }
0x2c: {  	_ =	sdelay $0x1  }
0x2d: {  	[sflag:s10] =	ssyncset.done $0x0  }
0x2e: {  	[sflag:s10] =	ssyncadd.s32 $0xFFFFE000  }
.LBB2_1:
0x2f: {  	s9 =	rddreg [dreg:$0x4];
	s10 =	simm.s32 $0x80;
	s26 =	simm.s32 $0x200  }
0x30: {  	[tilespmem:s3], [sflag:$0x11] =	stream.strided.gather [hbm4b:s9+s10], $0x200, s26, s10, $0x38;
	[tilespmem:$0x10200] =	vst v63  }
0x31: {  	[dreg:$0x9] =	wrdreg s11;
	s10 =	simm.s32 $0x11  }
0x32: {  	_ =	swait.ge [sflag:s10], $0x200  }
0x33: {  	[sflag:s10] =	ssyncset.done $0x0  }
0x34: {  	[sflag:s10] =	ssyncadd.s32 $0xFFFFFE00  }
0x35: {  	v2 =	vld.msk [tilespmem:$0x0], $0xff;
	_ =	sdelay $0x4  }
0x36: {  	v3 =	vshll.u32 v2, $0x3  }
0x37: {  	v2 =	vand.u32 $0x7, v2;
	v3 =	vand.u32 $0xFFFFFFC0, v3  }
0x38: {  	v2 =	vor.u32 v2, v3  }
0x39: {  	v2 =	vperm.xlane v2, v0;
	_ =	sdelay $0x1  }
0x3a: {  	v2 =	vadd.s32 v1, v2;
	_ =	sdelay $0x4  }
0x3b: {  	[tilespmem:s26], [sflag:$0x1] =	stream.indirect_vreg.gather [hbm4b:s2+s3], $0x80, v2, vm0, $0xb8;
	[tilespmem:$0x10200] =	vst v63  }
0x3c: {  	s11 =	simm.s32 $0xA00  }
0x3d: {  	[tilespmem:s11], [sflag:$0x1] =	stream.indirect_vreg.gather [hbm4b:s5+s3], $0x80, v2, vm0, $0xb8;
	[tilespmem:$0x10200] =	vst v63  }
0x3e: {  	s26 =	simm.s32 $0x1200  }
0x3f: {  	[tilespmem:s26], [sflag:$0x1] =	stream.indirect_vreg.gather [hbm4b:s6+s3], $0x80, v2, vm0, $0xb8;
	[tilespmem:$0x10200] =	vst v63  }
0x40: {  	s10 =	simm.s32 $0x1A00  }
0x41: {  	[tilespmem:s10], [sflag:$0x1] =	stream.indirect_vreg.gather [hbm4b:s7+s3], $0x80, v2, vm0, $0xb8;
	[tilespmem:$0x10200] =	vst v63  }
0x42: {  	v2 =	vld.msk [tilespmem:$0x8], $0xff;
	_ =	sdelay $0x4  }
0x43: {  	v3 =	vshll.u32 v2, $0x3  }
0x44: {  	v2 =	vand.u32 $0x7, v2;
	v3 =	vand.u32 $0xFFFFFFC0, v3  }
0x45: {  	v2 =	vor.u32 v2, v3  }
0x46: {  	v2 =	vperm.xlane v2, v0;
	_ =	sdelay $0x1  }
0x47: {  	v2 =	vadd.s32 v1, v2;
	_ =	sdelay $0x3  }
0x48: {  	s11 =	simm.s32 $0x2200  }
0x49: {  	[tilespmem:s11], [sflag:$0x2] =	stream.indirect_vreg.gather [hbm4b:s2+s3], $0x80, v2, vm0, $0xb8;
	[tilespmem:$0x10200] =	vst v63  }
0x4a: {  	s26 =	simm.s32 $0x2A00  }
0x4b: {  	[tilespmem:s26], [sflag:$0x2] =	stream.indirect_vreg.gather [hbm4b:s5+s3], $0x80, v2, vm0, $0xb8;
	[tilespmem:$0x10200] =	vst v63  }
0x4c: {  	s10 =	simm.s32 $0x3200  }
0x4d: {  	[tilespmem:s10], [sflag:$0x2] =	stream.indirect_vreg.gather [hbm4b:s6+s3], $0x80, v2, vm0, $0xb8;
	[tilespmem:$0x10200] =	vst v63  }
0x4e: {  	s11 =	simm.s32 $0x3A00  }
0x4f: {  	[tilespmem:s11], [sflag:$0x2] =	stream.indirect_vreg.gather [hbm4b:s7+s3], $0x80, v2, vm0, $0xb8;
	[tilespmem:$0x10200] =	vst v63  }
0x50: {  	v2 =	vld.msk [tilespmem:$0x10], $0xff;
	_ =	sdelay $0x4  }
0x51: {  	v3 =	vshll.u32 v2, $0x3  }
0x52: {  	v2 =	vand.u32 $0x7, v2;
	v3 =	vand.u32 $0xFFFFFFC0, v3  }
0x53: {  	v2 =	vor.u32 v2, v3  }
0x54: {  	v2 =	vperm.xlane v2, v0;
	_ =	sdelay $0x1  }
0x55: {  	v2 =	vadd.s32 v1, v2;
	_ =	sdelay $0x3  }
0x56: {  	s26 =	simm.s32 $0x4200  }
0x57: {  	[tilespmem:s26], [sflag:$0x3] =	stream.indirect_vreg.gather [hbm4b:s2+s3], $0x80, v2, vm0, $0xb8;
	[tilespmem:$0x10200] =	vst v63  }
0x58: {  	s10 =	simm.s32 $0x4A00  }
0x59: {  	[tilespmem:s10], [sflag:$0x3] =	stream.indirect_vreg.gather [hbm4b:s5+s3], $0x80, v2, vm0, $0xb8;
	[tilespmem:$0x10200] =	vst v63  }
0x5a: {  	s11 =	simm.s32 $0x5200  }
0x5b: {  	[tilespmem:s11], [sflag:$0x3] =	stream.indirect_vreg.gather [hbm4b:s6+s3], $0x80, v2, vm0, $0xb8;
	[tilespmem:$0x10200] =	vst v63  }
0x5c: {  	s26 =	simm.s32 $0x5A00  }
0x5d: {  	[tilespmem:s26], [sflag:$0x3] =	stream.indirect_vreg.gather [hbm4b:s7+s3], $0x80, v2, vm0, $0xb8;
	[tilespmem:$0x10200] =	vst v63  }
0x5e: {  	v2 =	vld.msk [tilespmem:$0x18], $0xff;
	_ =	sdelay $0x4  }
0x5f: {  	v3 =	vshll.u32 v2, $0x3  }
0x60: {  	v2 =	vand.u32 $0x7, v2;
	v3 =	vand.u32 $0xFFFFFFC0, v3  }
0x61: {  	v2 =	vor.u32 v2, v3  }
0x62: {  	v2 =	vperm.xlane v2, v0;
	_ =	sdelay $0x1  }
0x63: {  	v2 =	vadd.s32 v1, v2;
	_ =	sdelay $0x4  }
0x64: {  	[tilespmem:s1], [sflag:$0x4] =	stream.indirect_vreg.gather [hbm4b:s2+s3], $0x80, v2, vm0, $0xb8;
	[tilespmem:$0x10200] =	vst v63  }
0x65: {  	s10 =	simm.s32 $0x6A00  }
0x66: {  	[tilespmem:s10], [sflag:$0x4] =	stream.indirect_vreg.gather [hbm4b:s5+s3], $0x80, v2, vm0, $0xb8;
	[tilespmem:$0x10200] =	vst v63  }
0x67: {  	s11 =	simm.s32 $0x7200  }
0x68: {  	[tilespmem:s11], [sflag:$0x4] =	stream.indirect_vreg.gather [hbm4b:s6+s3], $0x80, v2, vm0, $0xb8;
	[tilespmem:$0x10200] =	vst v63  }
0x69: {  	s26 =	simm.s32 $0x7A00  }
0x6a: {  	[tilespmem:s26], [sflag:$0x4] =	stream.indirect_vreg.gather [hbm4b:s7+s3], $0x80, v2, vm0, $0xb8;
	[tilespmem:$0x10200] =	vst v63  }
0x6b: {  	s9 =	simm.s32 $0x0;
	s26 =	simm.s32 $0x30  }
.LBB2_2:
0x6c: {  	_ =	swait.ge [sflag:s21], $0x2000  }
0x6d: {  	s10 =	sadd.s32 s9, s14;
	[sflag:s21] =	ssyncset.done $0x0  }
0x6e: {  	s11 =	simm.s32 $0x200;
	p0 =	seq.s32 s9, $0x0;
	[sflag:s21] =	ssyncadd.s32 $0xFFFFE000  }
0x6f: {  	[hbm4b:s10+s3] =	stream.linear.scatter [tilespmem:s11], [sflag:$0x9], $0x2000, $0x38;
	[tilespmem:$0x10200] =	vst v63  }
0x70: {  	s10 =	simm.s32 @!p0 $0xD  }
0x71: {  	_ =	swait.ge @!p0 [sflag:s10], $0x2000  }
0x72: {  	[sflag:s10] =	ssyncset.done @!p0 $0x0  }
0x73: {  	[sflag:s10] =	ssyncadd.s32 @!p0 $0xFFFFE000  }
0x74: {  	v2 =	vld.msk [tilespmem:s26+$0xFFFFFFF0], $0xff;
	_ =	sdelay $0x4  }
0x75: {  	v3 =	vshll.u32 v2, $0x3  }
0x76: {  	v2 =	vand.u32 $0x7, v2;
	v3 =	vand.u32 $0xFFFFFFC0, v3  }
0x77: {  	v2 =	vor.u32 v2, v3  }
0x78: {  	v2 =	vperm.xlane v2, v0;
	_ =	sdelay $0x1  }
0x79: {  	v2 =	vadd.s32 v1, v2;
	_ =	sdelay $0x4  }
0x7a: {  	[tilespmem:s22], [sflag:$0x5] =	stream.indirect_vreg.gather [hbm4b:s2+s3], $0x80, v2, vm0, $0xb8;
	[tilespmem:$0x10200] =	vst v63  }
0x7b: {  	s11 =	simm.s32 $0x8A00  }
0x7c: {  	[tilespmem:s11], [sflag:$0x5] =	stream.indirect_vreg.gather [hbm4b:s5+s3], $0x80, v2, vm0, $0xb8;
	[tilespmem:$0x10200] =	vst v63  }
0x7d: {  	s11 =	simm.s32 $0x9200  }
0x7e: {  	[tilespmem:s11], [sflag:$0x5] =	stream.indirect_vreg.gather [hbm4b:s6+s3], $0x80, v2, vm0, $0xb8;
	[tilespmem:$0x10200] =	vst v63  }
0x7f: {  	s11 =	simm.s32 $0x9A00  }
0x80: {  	[tilespmem:s11], [sflag:$0x5] =	stream.indirect_vreg.gather [hbm4b:s7+s3], $0x80, v2, vm0, $0xb8;
	[tilespmem:$0x10200] =	vst v63  }
0x81: {  	_ =	swait.ge [sflag:s29], $0x2000  }
0x82: {  	[sflag:s29] =	ssyncset.done $0x0  }
0x83: {  	s10 =	sadd.s32 s9, s13;
	s11 =	simm.s32 $0x2200;
	[sflag:s29] =	ssyncadd.s32 $0xFFFFE000  }
0x84: {  	[hbm4b:s10+s3] =	stream.linear.scatter [tilespmem:s11], [sflag:$0xA], $0x2000, $0x38;
	[tilespmem:$0x10200] =	vst v63  }
0x85: {  	s10 =	simm.s32 @!p0 $0xE  }
0x86: {  	_ =	swait.ge @!p0 [sflag:s10], $0x2000  }
0x87: {  	[sflag:s10] =	ssyncset.done @!p0 $0x0  }
0x88: {  	[sflag:s10] =	ssyncadd.s32 @!p0 $0xFFFFE000  }
0x89: {  	v2 =	vld.msk [tilespmem:s26+$0xFFFFFFF8], $0xff;
	_ =	sdelay $0x4  }
0x8a: {  	v3 =	vshll.u32 v2, $0x3  }
0x8b: {  	v2 =	vand.u32 $0x7, v2;
	v3 =	vand.u32 $0xFFFFFFC0, v3  }
0x8c: {  	v2 =	vor.u32 v2, v3  }
0x8d: {  	v2 =	vperm.xlane v2, v0;
	_ =	sdelay $0x1  }
0x8e: {  	v2 =	vadd.s32 v1, v2;
	_ =	sdelay $0x4  }
0x8f: {  	[tilespmem:s30], [sflag:$0x6] =	stream.indirect_vreg.gather [hbm4b:s2+s3], $0x80, v2, vm0, $0xb8;
	[tilespmem:$0x10200] =	vst v63  }
0x90: {  	s11 =	simm.s32 $0xAA00  }
0x91: {  	[tilespmem:s11], [sflag:$0x6] =	stream.indirect_vreg.gather [hbm4b:s5+s3], $0x80, v2, vm0, $0xb8;
	[tilespmem:$0x10200] =	vst v63  }
0x92: {  	s11 =	simm.s32 $0xB200  }
0x93: {  	[tilespmem:s11], [sflag:$0x6] =	stream.indirect_vreg.gather [hbm4b:s6+s3], $0x80, v2, vm0, $0xb8;
	[tilespmem:$0x10200] =	vst v63  }
0x94: {  	s11 =	simm.s32 $0xBA00  }
0x95: {  	[tilespmem:s11], [sflag:$0x6] =	stream.indirect_vreg.gather [hbm4b:s7+s3], $0x80, v2, vm0, $0xb8;
	[tilespmem:$0x10200] =	vst v63  }
0x96: {  	_ =	swait.ge [sflag:s19], $0x2000  }
0x97: {  	[sflag:s19] =	ssyncset.done $0x0  }
0x98: {  	s10 =	sadd.s32 s9, s12;
	s11 =	simm.s32 $0x4200;
	[sflag:s19] =	ssyncadd.s32 $0xFFFFE000  }
0x99: {  	[hbm4b:s10+s3] =	stream.linear.scatter [tilespmem:s11], [sflag:$0xB], $0x2000, $0x38;
	[tilespmem:$0x10200] =	vst v63  }
0x9a: {  	s10 =	simm.s32 @!p0 $0xF  }
0x9b: {  	_ =	swait.ge @!p0 [sflag:s10], $0x2000  }
0x9c: {  	[sflag:s10] =	ssyncset.done @!p0 $0x0  }
0x9d: {  	[sflag:s10] =	ssyncadd.s32 @!p0 $0xFFFFE000  }
0x9e: {  	v2 =	vld.msk [tilespmem:s26+$0x0], $0xff;
	_ =	sdelay $0x4  }
0x9f: {  	v3 =	vshll.u32 v2, $0x3  }
0xa0: {  	v2 =	vand.u32 $0x7, v2;
	v3 =	vand.u32 $0xFFFFFFC0, v3  }
0xa1: {  	v2 =	vor.u32 v2, v3  }
0xa2: {  	v2 =	vperm.xlane v2, v0;
	_ =	sdelay $0x1  }
0xa3: {  	v2 =	vadd.s32 v1, v2;
	_ =	sdelay $0x4  }
0xa4: {  	[tilespmem:s0], [sflag:$0x7] =	stream.indirect_vreg.gather [hbm4b:s2+s3], $0x80, v2, vm0, $0xb8;
	[tilespmem:$0x10200] =	vst v63  }
0xa5: {  	s11 =	simm.s32 $0xCA00  }
0xa6: {  	[tilespmem:s11], [sflag:$0x7] =	stream.indirect_vreg.gather [hbm4b:s5+s3], $0x80, v2, vm0, $0xb8;
	[tilespmem:$0x10200] =	vst v63  }
0xa7: {  	s11 =	simm.s32 $0xD200  }
0xa8: {  	[tilespmem:s11], [sflag:$0x7] =	stream.indirect_vreg.gather [hbm4b:s6+s3], $0x80, v2, vm0, $0xb8;
	[tilespmem:$0x10200] =	vst v63  }
0xa9: {  	s11 =	simm.s32 $0xDA00  }
0xaa: {  	[tilespmem:s11], [sflag:$0x7] =	stream.indirect_vreg.gather [hbm4b:s7+s3], $0x80, v2, vm0, $0xb8;
	[tilespmem:$0x10200] =	vst v63  }
0xab: {  	_ =	swait.ge [sflag:s28], $0x2000  }
0xac: {  	[sflag:s28] =	ssyncset.done $0x0;
	s11 =	rddreg [dreg:$0x8]  }
0xad: {  	[sflag:s28] =	ssyncadd.s32 $0xFFFFE000;
	s10 =	sadd.s32 s9, s11  }
0xae: {  	[hbm4b:s10+s3] =	stream.linear.scatter [tilespmem:s1], [sflag:$0xC], $0x2000, $0x38;
	[tilespmem:$0x10200] =	vst v63  }
0xaf: {  	s10 =	simm.s32 @!p0 $0x10  }
0xb0: {  	_ =	swait.ge @!p0 [sflag:s10], $0x2000  }
0xb1: {  	[sflag:s10] =	ssyncset.done @!p0 $0x0  }
0xb2: {  	[sflag:s10] =	ssyncadd.s32 @!p0 $0xFFFFE000  }
0xb3: {  	v2 =	vld.msk [tilespmem:s26+$0x8], $0xff;
	_ =	sdelay $0x4  }
0xb4: {  	v3 =	vshll.u32 v2, $0x3  }
0xb5: {  	v2 =	vand.u32 $0x7, v2;
	v3 =	vand.u32 $0xFFFFFFC0, v3  }
0xb6: {  	v2 =	vor.u32 v2, v3  }
0xb7: {  	v2 =	vperm.xlane v2, v0;
	_ =	sdelay $0x1  }
0xb8: {  	v2 =	vadd.s32 v1, v2;
	_ =	sdelay $0x4  }
0xb9: {  	[tilespmem:s24], [sflag:$0x8] =	stream.indirect_vreg.gather [hbm4b:s2+s3], $0x80, v2, vm0, $0xb8;
	[tilespmem:$0x10200] =	vst v63  }
0xba: {  	s11 =	simm.s32 $0xEA00  }
0xbb: {  	[tilespmem:s11], [sflag:$0x8] =	stream.indirect_vreg.gather [hbm4b:s5+s3], $0x80, v2, vm0, $0xb8;
	[tilespmem:$0x10200] =	vst v63  }
0xbc: {  	s11 =	simm.s32 $0xF200  }
0xbd: {  	[tilespmem:s11], [sflag:$0x8] =	stream.indirect_vreg.gather [hbm4b:s6+s3], $0x80, v2, vm0, $0xb8;
	[tilespmem:$0x10200] =	vst v63  }
0xbe: {  	s11 =	simm.s32 $0xFA00  }
0xbf: {  	[tilespmem:s11], [sflag:$0x8] =	stream.indirect_vreg.gather [hbm4b:s7+s3], $0x80, v2, vm0, $0xb8;
	[tilespmem:$0x10200] =	vst v63  }
0xc0: {  	_ =	swait.ge [sflag:s31], $0x2000  }
0xc1: {  	[sflag:s31] =	ssyncset.done $0x0;
	s11 =	rddreg [dreg:$0x6]  }
0xc2: {  	[sflag:s31] =	ssyncadd.s32 $0xFFFFE000;
	s10 =	sadd.s32 s9, s11  }
0xc3: {  	[hbm4b:s10+s3] =	stream.linear.scatter [tilespmem:s22], [sflag:$0xD], $0x2000, $0x38;
	[tilespmem:$0x10200] =	vst v63  }
0xc4: {  	_ =	swait.ge [sflag:s4], $0x2000  }
0xc5: {  	[sflag:s4] =	ssyncset.done $0x0  }
0xc6: {  	p0 =	seq.s32 s9, $0xE000;
	[sflag:s4] =	ssyncadd.s32 $0xFFFFE000  }
0xc7: {  	v2 =	vld.msk @!p0 [tilespmem:s26+$0x10], $0xff;
	_ =	sdelay $0x4  }
0xc8: {  	v3 =	vshll.u32 @!p0 v2, $0x3  }
0xc9: {  	v4 =	vlaneseq.u32 @!p0;
	v2 =	vand.u32 @!p0 $0x7, v2;
	v3 =	vand.u32 @!p0 $0xFFFFFFC0, v3  }
0xca: {  	v2 =	vor.u32 @!p0 v2, v3;
	v3 =	vand.u32 @!p0 $0x7, v4;
	v4 =	vshrl.u32 @!p0 v4, $0x3  }
0xcb: {  	v2 =	vperm.xlane @!p0 v2, v3;
	v4 =	vmul.u32 @!p0 $0x8, v4;
	_ =	sdelay $0x1  }
0xcc: {  	v2 =	vadd.s32 @!p0 v4, v2;
	_ =	sdelay $0x3  }
0xcd: {  	vm1 =	vmmov @!p0 $0xffff;
	s11 =	simm.s32 @!p0 $0x200;
	s10 =	simm.s32 @!p0 $0x0  }
0xce: {  	[tilespmem:s11], [sflag:$0x1] =	stream.indirect_vreg.gather @!p0 [hbm4b:s2+s10], $0x80, v2, vm1, $0xb8;
	[tilespmem:$0x10200] =	vst v63  }
0xcf: {  	s11 =	simm.s32 @!p0 $0xA00  }
0xd0: {  	[tilespmem:s11], [sflag:$0x1] =	stream.indirect_vreg.gather @!p0 [hbm4b:s5+s10], $0x80, v2, vm1, $0xb8;
	[tilespmem:$0x10200] =	vst v63  }
0xd1: {  	s11 =	simm.s32 @!p0 $0x1200  }
0xd2: {  	[tilespmem:s11], [sflag:$0x1] =	stream.indirect_vreg.gather @!p0 [hbm4b:s6+s10], $0x80, v2, vm1, $0xb8;
	[tilespmem:$0x10200] =	vst v63  }
0xd3: {  	s11 =	simm.s32 @!p0 $0x1A00  }
0xd4: {  	[tilespmem:s11], [sflag:$0x1] =	stream.indirect_vreg.gather @!p0 [hbm4b:s7+s10], $0x80, v2, vm1, $0xb8;
	[tilespmem:$0x10200] =	vst v63  }
0xd5: {  	_ =	swait.ge [sflag:s8], $0x2000  }
0xd6: {  	[sflag:s8] =	ssyncset.done $0x0;
	s11 =	rddreg [dreg:$0x7]  }
0xd7: {  	[sflag:s8] =	ssyncadd.s32 $0xFFFFE000;
	s11 =	sadd.s32 s9, s11  }
0xd8: {  	[hbm4b:s11+s3] =	stream.linear.scatter [tilespmem:s30], [sflag:$0xE], $0x2000, $0x38;
	[tilespmem:$0x10200] =	vst v63  }
0xd9: {  	_ =	swait.ge [sflag:s23], $0x2000  }
0xda: {  	[sflag:s23] =	ssyncset.done $0x0  }
0xdb: {  	[sflag:s23] =	ssyncadd.s32 $0xFFFFE000  }
0xdc: {  	v2 =	vld.msk @!p0 [tilespmem:s26+$0x18], $0xff;
	_ =	sdelay $0x4  }
0xdd: {  	v5 =	vshll.u32 @!p0 v2, $0x3  }
0xde: {  	v2 =	vand.u32 @!p0 $0x7, v2;
	v5 =	vand.u32 @!p0 $0xFFFFFFC0, v5  }
0xdf: {  	v2 =	vor.u32 @!p0 v2, v5  }
0xe0: {  	v2 =	vperm.xlane @!p0 v2, v3;
	_ =	sdelay $0x1  }
0xe1: {  	v2 =	vadd.s32 @!p0 v4, v2;
	_ =	sdelay $0x3  }
0xe2: {  	s11 =	simm.s32 @!p0 $0x2200  }
0xe3: {  	[tilespmem:s11], [sflag:$0x2] =	stream.indirect_vreg.gather @!p0 [hbm4b:s2+s10], $0x80, v2, vm1, $0xb8;
	[tilespmem:$0x10200] =	vst v63  }
0xe4: {  	s11 =	simm.s32 @!p0 $0x2A00  }
0xe5: {  	[tilespmem:s11], [sflag:$0x2] =	stream.indirect_vreg.gather @!p0 [hbm4b:s5+s10], $0x80, v2, vm1, $0xb8;
	[tilespmem:$0x10200] =	vst v63  }
0xe6: {  	s11 =	simm.s32 @!p0 $0x3200  }
0xe7: {  	[tilespmem:s11], [sflag:$0x2] =	stream.indirect_vreg.gather @!p0 [hbm4b:s6+s10], $0x80, v2, vm1, $0xb8;
	[tilespmem:$0x10200] =	vst v63  }
0xe8: {  	s11 =	simm.s32 @!p0 $0x3A00  }
0xe9: {  	[tilespmem:s11], [sflag:$0x2] =	stream.indirect_vreg.gather @!p0 [hbm4b:s7+s10], $0x80, v2, vm1, $0xb8;
	[tilespmem:$0x10200] =	vst v63  }
0xea: {  	_ =	swait.ge [sflag:s17], $0x2000  }
0xeb: {  	[sflag:s17] =	ssyncset.done $0x0  }
0xec: {  	s11 =	sadd.s32 s9, s16;
	[sflag:s17] =	ssyncadd.s32 $0xFFFFE000  }
0xed: {  	[hbm4b:s11+s3] =	stream.linear.scatter [tilespmem:s0], [sflag:$0xF], $0x2000, $0x38;
	[tilespmem:$0x10200] =	vst v63  }
0xee: {  	_ =	swait.ge [sflag:s20], $0x2000  }
0xef: {  	[sflag:s20] =	ssyncset.done $0x0  }
0xf0: {  	[sflag:s20] =	ssyncadd.s32 $0xFFFFE000  }
0xf1: {  	v2 =	vld.msk @!p0 [tilespmem:s26+$0x20], $0xff;
	_ =	sdelay $0x4  }
0xf2: {  	v5 =	vshll.u32 @!p0 v2, $0x3  }
0xf3: {  	v2 =	vand.u32 @!p0 $0x7, v2;
	v5 =	vand.u32 @!p0 $0xFFFFFFC0, v5  }
0xf4: {  	v2 =	vor.u32 @!p0 v2, v5  }
0xf5: {  	v2 =	vperm.xlane @!p0 v2, v3;
	_ =	sdelay $0x1  }
0xf6: {  	v2 =	vadd.s32 @!p0 v4, v2;
	_ =	sdelay $0x3  }
0xf7: {  	s11 =	simm.s32 @!p0 $0x4200  }
0xf8: {  	[tilespmem:s11], [sflag:$0x3] =	stream.indirect_vreg.gather @!p0 [hbm4b:s2+s10], $0x80, v2, vm1, $0xb8;
	[tilespmem:$0x10200] =	vst v63  }
0xf9: {  	s11 =	simm.s32 @!p0 $0x4A00  }
0xfa: {  	[tilespmem:s11], [sflag:$0x3] =	stream.indirect_vreg.gather @!p0 [hbm4b:s5+s10], $0x80, v2, vm1, $0xb8;
	[tilespmem:$0x10200] =	vst v63  }
0xfb: {  	s11 =	simm.s32 @!p0 $0x5200  }
0xfc: {  	[tilespmem:s11], [sflag:$0x3] =	stream.indirect_vreg.gather @!p0 [hbm4b:s6+s10], $0x80, v2, vm1, $0xb8;
	[tilespmem:$0x10200] =	vst v63  }
0xfd: {  	s11 =	simm.s32 @!p0 $0x5A00  }
0xfe: {  	[tilespmem:s11], [sflag:$0x3] =	stream.indirect_vreg.gather @!p0 [hbm4b:s7+s10], $0x80, v2, vm1, $0xb8;
	[tilespmem:$0x10200] =	vst v63  }
0xff: {  	_ =	swait.ge [sflag:s18], $0x2000  }
0x100: {  	[sflag:s18] =	ssyncset.done $0x0  }
.Ltmp2:
0x101: {  	s11 =	sadd.s32 s9, s15;
	[sflag:s18] =	ssyncadd.s32 $0xFFFFE000;
	(pc) =	sbr.rel @p0 .LBB2_4-.Ltmp2, $4  }
0x102: {  	[hbm4b:s11+s3] =	stream.linear.scatter [tilespmem:s24], [sflag:$0x10], $0x2000, $0x38;
	[tilespmem:$0x10200] =	vst v63  }
0x103: {  	_ =	swait.ge [sflag:s25], $0x2000  }
0x104: {  	[sflag:s25] =	ssyncset.done $0x0  }
0x105: {  	[sflag:s25] =	ssyncadd.s32 $0xFFFFE000  }
0x106: {  	v2 =	vld.msk [tilespmem:s26+$0x28], $0xff;
	_ =	sdelay $0x4  }
0x107: {  	v3 =	vshll.u32 v2, $0x3  }
0x108: {  	v2 =	vand.u32 $0x7, v2;
	v3 =	vand.u32 $0xFFFFFFC0, v3  }
0x109: {  	v2 =	vor.u32 v2, v3  }
0x10a: {  	v2 =	vperm.xlane v2, v0;
	_ =	sdelay $0x1  }
0x10b: {  	v2 =	vadd.s32 v1, v2;
	_ =	sdelay $0x4  }
0x10c: {  	[tilespmem:s1], [sflag:$0x4] =	stream.indirect_vreg.gather [hbm4b:s2+s3], $0x80, v2, vm0, $0xb8;
	[tilespmem:$0x10200] =	vst v63  }
0x10d: {  	s10 =	simm.s32 $0x6A00  }
0x10e: {  	[tilespmem:s10], [sflag:$0x4] =	stream.indirect_vreg.gather [hbm4b:s5+s3], $0x80, v2, vm0, $0xb8;
	[tilespmem:$0x10200] =	vst v63  }
.Ltmp3:
0x10f: {  	_ = 	snop;
	(pc) =	sbr.rel .LBB2_2-.Ltmp3, $4  }
0x110: {  	s11 =	simm.s32 $0x7200  }
0x111: {  	[tilespmem:s11], [sflag:$0x4] =	stream.indirect_vreg.gather [hbm4b:s6+s3], $0x80, v2, vm0, $0xb8;
	[tilespmem:$0x10200] =	vst v63  }
0x112: {  	s9 =	sadd.s32 $0x2000, s9;
	s26 =	sadd.s32 $0x40, s26;
	s11 =	simm.s32 $0x7A00  }
0x113: {  	[tilespmem:s11], [sflag:$0x4] =	stream.indirect_vreg.gather [hbm4b:s7+s3], $0x80, v2, vm0, $0xb8;
	[tilespmem:$0x10200] =	vst v63  }
.LBB2_5:
0x114: {  	_ =	sfence.sel $0x180000  }
0x115: {  	[bflag:$0x0] =	sbarrier.arrive $0xFFFF  }
0x116: {  	_ =	strace $0x90000047  }
0x117: {  	s0 =	stileid.u32;
	[bflag:$0x2] =	sbarrier.arrive $0xFFFF  }
0x118: {  	p0 =	sne.s32 s0, $0x0;
	s0 =	rddreg [dreg:$0x3]  }
0x119: {  	s0 =	sadd.s32 @!p0 $0x100000, s0  }
0x11a: {  	[sflag:s0] =	ssyncadd.tile.s32 @!p0 $0x1;
	_ =	shalt  }
.Lfunc_end2:
_tile_overlayer_lowered:
.L_overlay_start_2:
0x11b: {  	(tag) =	ssettag $0x2  }
0x11c: {  	s0 =	rddreg [dreg:$0x0];
	s2 =	stileid.u32  }
0x11d: {  	s1 =	rddreg [dreg:$0x1];
	p0 =	sne.s32 s2, $0x0  }
0x11e: {  	s3 =	rddreg [dreg:$0x2];
	[bflag:$0x3] =	sbarrier.arrive $0xFFFF;
	s2 =	simm.s32 @!p0 $0x1C11  }
0x11f: {  	[timem:s3], [sflag:s2] =	dma.local @!p0 [hbm:s0], s1  }
0x120: {  	s0 =	simm.s32 @!p0 $0x11  }
0x121: {  	_ =	swait.ge @!p0 [sflag:s0], s1  }
0x122: {  	s1 =	ssub.s32 @!p0 $0x0, s1;
	[sflag:s0] =	ssyncset.done @!p0 $0x0  }
0x123: {  	[sflag:s0] =	ssyncadd.s32 @!p0 s1  }
0x124: {  	[bflag:$0x3] =	sbarrier.arrive $0xFFFF  }
0x125: {  	_ =	shalt  }

</sc_bundles>
